<compile_context>
chip_gen: v7x
topology: tpu7x:2x2x1
jax: 0.10.2.dev20260603
libtpu: 0.0.44.dev20260713+nightly
codegen_flags: <defaults>
</compile_context>

<pallas_src>
import functools

import jax
import jax.numpy as jnp
from jax import lax
from jax.experimental import pallas as pl
from jax.experimental.pallas import tpu as pltpu
from jax.experimental.pallas import tpu_sc as plsc

_B = 16384
_D = 64
_NE = 1000000
_NR = 1000

_info = plsc.get_sparse_core_info()
_NC = _info.num_cores
_NS = _info.num_subcores
_NW = _NC * _NS
_BPW = _B // _NW
_CH = 128
_NCHUNK = _BPW // _CH

_mesh = plsc.VectorSubcoreMesh(core_axis_name="c", subcore_axis_name="s")


@functools.partial(
    pl.kernel,
    mesh=_mesh,
    out_type=[
        jax.ShapeDtypeStruct((_B, _D), jnp.float32),
        jax.ShapeDtypeStruct((_B, _D), jnp.float32),
        jax.ShapeDtypeStruct((_B, _D), jnp.float32),
    ],
    scratch_types=[
        pltpu.VMEM((_BPW,), jnp.int32),
        pltpu.VMEM((_BPW,), jnp.int32),
        pltpu.VMEM((_BPW,), jnp.int32),
        pltpu.VMEM((_CH, _D), jnp.float32),
        pltpu.VMEM((_CH, _D), jnp.float32),
        pltpu.VMEM((_CH, _D), jnp.float32),
        pltpu.VMEM((_NR * _D,), jnp.float32),
        pltpu.SemaphoreType.DMA,
        pltpu.SemaphoreType.DMA,
    ],
)
def _gather3(ent_hbm, rel_hbm, h_hbm, r_hbm, t_hbm,
             h_out, r_out, t_out,
             sh_s, st_s, sr_s,
             oh, ot, orel, rel_v,
             sem_h, sem_t):
    wid = lax.axis_index("s") * _NC + lax.axis_index("c")
    base = wid * _BPW

    pltpu.sync_copy(h_hbm.at[pl.ds(base, _BPW)], sh_s)
    pltpu.sync_copy(t_hbm.at[pl.ds(base, _BPW)], st_s)
    pltpu.sync_copy(r_hbm.at[pl.ds(base, _BPW)], sr_s)
    pltpu.sync_copy(rel_hbm, rel_v)

    @pl.loop(0, _NCHUNK)
    def _chunk(ci):
        cbase = ci * _CH

        @pl.loop(0, _CH // 16)
        def _fire(g):
            s = pl.ds(cbase + g * 16, 16)
            hv = sh_s[s]
            tv = st_s[s]
            rv = sr_s[s] * _D
            for l in range(16):
                j = g * 16 + l
                pltpu.async_copy(ent_hbm.at[hv[l]], oh.at[j], sem_h)
                pltpu.async_copy(ent_hbm.at[tv[l]], ot.at[j], sem_t)
                rbase = rv[l]
                for b in range(_D // 16):
                    orel[j, pl.ds(b * 16, 16)] = rel_v[pl.ds(rbase + b * 16, 16)]

        pltpu.make_async_copy(ent_hbm.at[pl.ds(0, _CH)], oh, sem_h).wait()
        pltpu.make_async_copy(ent_hbm.at[pl.ds(0, _CH)], ot, sem_t).wait()

        pltpu.sync_copy(oh, h_out.at[pl.ds(base + cbase, _CH)])
        pltpu.sync_copy(ot, t_out.at[pl.ds(base + cbase, _CH)])
        pltpu.sync_copy(orel, r_out.at[pl.ds(base + cbase, _CH)])


def kernel(ent_emb, rel_emb, triples):
    rel_lin = rel_emb.reshape(_NR * _D)
    h = triples[:, 0].astype(jnp.int32)
    r = triples[:, 1].astype(jnp.int32)
    t = triples[:, 2].astype(jnp.int32)
    ho, ro, to = _gather3(ent_emb, rel_lin, h, r, t)
    return ho[:, None, :], ro[:, None, :], to[:, None, :]

# --- scband reference (transcript-rebuilt; emitter-appended) ---
"""Pipeline reference for scband-model-7550552506733 (READ-ONLY COPY).

The authoritative reference and input builder live on the scoring server;
editing this copy changes nothing except your own understanding.
"""

import jax, jax.numpy as jnp
import numpy as np

NUM_ENT = 1000000
NUM_REL = 1000
EMB_DIM = 64
BATCH = 16384

def setup_inputs(seed: int = 0) -> dict:
    key = jax.random.key(seed)
    k1, k2, k3, k4, k5 = jax.random.split(key, 5)
    # triples: [B, 3] = (head_ent, relation, tail_ent)
    heads = jax.random.randint(k1, (BATCH, 1), 0, NUM_ENT, dtype=jnp.int64 if jax.config.jax_enable_x64 else jnp.int32)
    rels = jax.random.randint(k2, (BATCH, 1), 0, NUM_REL, dtype=heads.dtype)
    tails = jax.random.randint(k3, (BATCH, 1), 0, NUM_ENT, dtype=heads.dtype)
    triples = jnp.concatenate([heads, rels, tails], axis=1)
    # learned parameters: entity and relation embedding tables
    ent_emb = jax.random.normal(k4, (NUM_ENT, EMB_DIM), dtype=jnp.float32) * 0.02
    rel_emb = jax.random.normal(k5, (NUM_REL, EMB_DIM), dtype=jnp.float32) * 0.02
    return {"ent_emb": ent_emb, "rel_emb": rel_emb, "triples": triples}

def reference(ent_emb, rel_emb, triples):
    # tri2emb with mode='single', negs=None (faithful to the torch module)
    head_emb = jnp.take(ent_emb, triples[:, 0], axis=0)[:, None, :]      # [B, 1, d]
    relation_emb = jnp.take(rel_emb, triples[:, 1], axis=0)[:, None, :]  # [B, 1, d]
    tail_emb = jnp.take(ent_emb, triples[:, 2], axis=0)[:, None, :]      # [B, 1, d]
    return (head_emb, relation_emb, tail_emb)

if __name__ == "__main__":
    import jax
    _d = setup_inputs()
    print(jax.jit(kernel)(*tuple(_d.values())))

</pallas_src>

<mosaic_0001>
#map = affine_map<(d0, d1) -> (0, 0)>
#map1 = affine_map<(d0, d1) -> (0)>
module attributes {stable_mosaic.version = 14 : i64} {
  func.func @_gather3(%arg0: i32, %arg1: i32, %arg2: memref<1000000x64xf32, #tpu.memory_space<hbm>>, %arg3: memref<64000xf32, #tpu.memory_space<hbm>>, %arg4: memref<16384xi32, #tpu.memory_space<hbm>>, %arg5: memref<16384xi32, #tpu.memory_space<hbm>>, %arg6: memref<16384xi32, #tpu.memory_space<hbm>>, %arg7: memref<16384x64xf32, #tpu.memory_space<hbm>>, %arg8: memref<16384x64xf32, #tpu.memory_space<hbm>>, %arg9: memref<16384x64xf32, #tpu.memory_space<hbm>>, %arg10: memref<512xi32, #tpu.memory_space<vmem>>, %arg11: memref<512xi32, #tpu.memory_space<vmem>>, %arg12: memref<512xi32, #tpu.memory_space<vmem>>, %arg13: memref<128x64xf32, #tpu.memory_space<vmem>>, %arg14: memref<128x64xf32, #tpu.memory_space<vmem>>, %arg15: memref<128x64xf32, #tpu.memory_space<vmem>>, %arg16: memref<64000xf32, #tpu.memory_space<vmem>>, %arg17: memref<!tpu.dma_semaphore, #tpu.memory_space<semaphore_mem>>, %arg18: memref<!tpu.dma_semaphore, #tpu.memory_space<semaphore_mem>>) attributes {dimension_semantics = [#tpu.dimension_semantics<core_parallel>, #tpu.dimension_semantics<subcore_parallel>], iteration_bounds = array<i64: 2, 16>, scalar_prefetch = 0 : i64, scratch_operands = 9 : i64, tpu.core_type = #tpu.core_type<sc_vector_subcore>, window_params = [{transform_indices = #map}, {transform_indices = #map1}, {transform_indices = #map1}, {transform_indices = #map1}, {transform_indices = #map1}, {transform_indices = #map}, {transform_indices = #map}, {transform_indices = #map}]} {
    %mul3A = arith.constant 2 : i32
    %mul3A_0 = arith.muli %arg1, %mul3A : i32
    %add3A = arith.addi %mul3A_0, %arg0 : i32
    %mul3A_1 = arith.constant 512 : i32
    %mul3A_2 = arith.muli %add3A, %mul3A_1 : i32
    "tpu.region"() ({
      %run_scoped3A = tpu.sem_alloc : memref<!tpu.dma_semaphore, #tpu.memory_space<semaphore_mem>>
      %dma_start3A = tpu.memref_slice %arg4[%mul3A_2] : memref<16384xi32, #tpu.memory_space<hbm>> -> memref<512xi32, #tpu.memory_space<hbm>>
      %dma_start3A_7 = tpu.memref_slice %arg4[%mul3A_2] : memref<16384xi32, #tpu.memory_space<hbm>> -> memref<512xi32, #tpu.memory_space<hbm>>
      tpu.enqueue_dma source(%dma_start3A_7 : memref<512xi32, #tpu.memory_space<hbm>>) target(%arg10 : memref<512xi32, #tpu.memory_space<vmem>>) target_semaphore(%run_scoped3A : memref<!tpu.dma_semaphore, #tpu.memory_space<semaphore_mem>>)
      %dma_wait3A = tpu.memref_slice %arg4[%mul3A_2] : memref<16384xi32, #tpu.memory_space<hbm>> -> memref<512xi32, #tpu.memory_space<hbm>>
      %dma_wait3A_8 = tpu.memref_slice %arg4[%mul3A_2] : memref<16384xi32, #tpu.memory_space<hbm>> -> memref<512xi32, #tpu.memory_space<hbm>>
      tpu.wait_dma2 semaphore(%run_scoped3A : memref<!tpu.dma_semaphore, #tpu.memory_space<semaphore_mem>>) src(%dma_wait3A_8 : memref<512xi32, #tpu.memory_space<hbm>>) dst(%arg10 : memref<512xi32, #tpu.memory_space<vmem>>)
      tpu.yield
    }) : () -> ()
    "tpu.region"() ({
      %run_scoped3A = tpu.sem_alloc : memref<!tpu.dma_semaphore, #tpu.memory_space<semaphore_mem>>
      %dma_start3A = tpu.memref_slice %arg6[%mul3A_2] : memref<16384xi32, #tpu.memory_space<hbm>> -> memref<512xi32, #tpu.memory_space<hbm>>
      %dma_start3A_7 = tpu.memref_slice %arg6[%mul3A_2] : memref<16384xi32, #tpu.memory_space<hbm>> -> memref<512xi32, #tpu.memory_space<hbm>>
      tpu.enqueue_dma source(%dma_start3A_7 : memref<512xi32, #tpu.memory_space<hbm>>) target(%arg11 : memref<512xi32, #tpu.memory_space<vmem>>) target_semaphore(%run_scoped3A : memref<!tpu.dma_semaphore, #tpu.memory_space<semaphore_mem>>)
      %dma_wait3A = tpu.memref_slice %arg6[%mul3A_2] : memref<16384xi32, #tpu.memory_space<hbm>> -> memref<512xi32, #tpu.memory_space<hbm>>
      %dma_wait3A_8 = tpu.memref_slice %arg6[%mul3A_2] : memref<16384xi32, #tpu.memory_space<hbm>> -> memref<512xi32, #tpu.memory_space<hbm>>
      tpu.wait_dma2 semaphore(%run_scoped3A : memref<!tpu.dma_semaphore, #tpu.memory_space<semaphore_mem>>) src(%dma_wait3A_8 : memref<512xi32, #tpu.memory_space<hbm>>) dst(%arg11 : memref<512xi32, #tpu.memory_space<vmem>>)
      tpu.yield
    }) : () -> ()
    "tpu.region"() ({
      %run_scoped3A = tpu.sem_alloc : memref<!tpu.dma_semaphore, #tpu.memory_space<semaphore_mem>>
      %dma_start3A = tpu.memref_slice %arg5[%mul3A_2] : memref<16384xi32, #tpu.memory_space<hbm>> -> memref<512xi32, #tpu.memory_space<hbm>>
      %dma_start3A_7 = tpu.memref_slice %arg5[%mul3A_2] : memref<16384xi32, #tpu.memory_space<hbm>> -> memref<512xi32, #tpu.memory_space<hbm>>
      tpu.enqueue_dma source(%dma_start3A_7 : memref<512xi32, #tpu.memory_space<hbm>>) target(%arg12 : memref<512xi32, #tpu.memory_space<vmem>>) target_semaphore(%run_scoped3A : memref<!tpu.dma_semaphore, #tpu.memory_space<semaphore_mem>>)
      %dma_wait3A = tpu.memref_slice %arg5[%mul3A_2] : memref<16384xi32, #tpu.memory_space<hbm>> -> memref<512xi32, #tpu.memory_space<hbm>>
      %dma_wait3A_8 = tpu.memref_slice %arg5[%mul3A_2] : memref<16384xi32, #tpu.memory_space<hbm>> -> memref<512xi32, #tpu.memory_space<hbm>>
      tpu.wait_dma2 semaphore(%run_scoped3A : memref<!tpu.dma_semaphore, #tpu.memory_space<semaphore_mem>>) src(%dma_wait3A_8 : memref<512xi32, #tpu.memory_space<hbm>>) dst(%arg12 : memref<512xi32, #tpu.memory_space<vmem>>)
      tpu.yield
    }) : () -> ()
    "tpu.region"() ({
      %run_scoped3A = tpu.sem_alloc : memref<!tpu.dma_semaphore, #tpu.memory_space<semaphore_mem>>
      tpu.enqueue_dma source(%arg3 : memref<64000xf32, #tpu.memory_space<hbm>>) target(%arg16 : memref<64000xf32, #tpu.memory_space<vmem>>) target_semaphore(%run_scoped3A : memref<!tpu.dma_semaphore, #tpu.memory_space<semaphore_mem>>)
      tpu.wait_dma2 semaphore(%run_scoped3A : memref<!tpu.dma_semaphore, #tpu.memory_space<semaphore_mem>>) src(%arg3 : memref<64000xf32, #tpu.memory_space<hbm>>) dst(%arg16 : memref<64000xf32, #tpu.memory_space<vmem>>)
      tpu.yield
    }) : () -> ()
    %scan3A = arith.constant 0 : i32
    %scan3A_3 = arith.constant 4 : i32
    %scan3A_4 = arith.addi %scan3A, %scan3A_3 : i32
    %scan3A_5 = arith.constant 1 : i32
    scf.for %scan3A_7 = %scan3A to %scan3A_4 step %scan3A_5  : i32 {
      %mul3A_8 = arith.constant 1 : i32
      %mul3A_9 = arith.muli %scan3A_7, %mul3A_8 : i32
      %add3A_10 = arith.constant 0 : i32
      %add3A_11 = arith.addi %add3A_10, %mul3A_9 : i32
      %mul3A_12 = arith.constant 128 : i32
      %mul3A_13 = arith.muli %add3A_11, %mul3A_12 : i32
      %scan3A_14 = arith.constant 0 : i32
      %scan3A_15 = arith.constant 8 : i32
      %scan3A_16 = arith.addi %scan3A_14, %scan3A_15 : i32
      %scan3A_17 = arith.constant 1 : i32
      scf.for %scan3A_33 = %scan3A_14 to %scan3A_16 step %scan3A_17  : i32 {
        %mul3A_34 = arith.constant 1 : i32
        %mul3A_35 = arith.muli %scan3A_33, %mul3A_34 : i32
        %add3A_36 = arith.constant 0 : i32
        %add3A_37 = arith.addi %add3A_36, %mul3A_35 : i32
        %mul3A_38 = arith.constant 16 : i32
        %mul3A_39 = arith.muli %add3A_37, %mul3A_38 : i32
        %add3A_40 = arith.addi %mul3A_13, %mul3A_39 : i32
        %get3A = arith.index_cast %add3A_40 : i32 to index
        %get3A_41 = tpu.vector_load %arg10[%get3A] {strides = array<i32>} : memref<512xi32, #tpu.memory_space<vmem>>, vector<16xi32>,
        %get3A_42 = vector.shape_cast %get3A_41 : vector<16xi32> to vector<16xi32>
        %get3A_43 = arith.index_cast %add3A_40 : i32 to index
        %get3A_44 = tpu.vector_load %arg11[%get3A_43] {strides = array<i32>} : memref<512xi32, #tpu.memory_space<vmem>>, vector<16xi32>,
        %get3A_45 = vector.shape_cast %get3A_44 : vector<16xi32> to vector<16xi32>
        %get3A_46 = arith.index_cast %add3A_40 : i32 to index
        %get3A_47 = tpu.vector_load %arg12[%get3A_46] {strides = array<i32>} : memref<512xi32, #tpu.memory_space<vmem>>, vector<16xi32>,
        %get3A_48 = vector.shape_cast %get3A_47 : vector<16xi32> to vector<16xi32>
        %mul3A_49 = arith.constant 64 : i32
        %mul3A_50 = vector.broadcast %mul3A_49 : i32 to vector<16xi32>
        %mul3A_51 = arith.muli %get3A_48, %mul3A_50 : vector<16xi32>
        %mul3A_52 = arith.constant 16 : i32
        %mul3A_53 = arith.muli %add3A_37, %mul3A_52 : i32
        %add3A_54 = arith.constant 0 : i32
        %add3A_55 = arith.addi %mul3A_53, %add3A_54 : i32
        %slice3A = vector.extract_strided_slice %get3A_42 {offsets = [0], sizes = [1], strides = [1]} : vector<16xi32> to vector<1xi32>
        %squeeze3A = vector.extract %slice3A[0] : i32 from vector<1xi32>
        %dma_start3A = arith.constant 0 : i32
        %dma_start3A_56 = tpu.memref_slice %arg13[%add3A_55, %dma_start3A] : memref<128x64xf32, #tpu.memory_space<vmem>> -> memref<1x64xf32, #tpu.memory_space<vmem>>
        %dma_start3A_57 = tpu.memref_squeeze %dma_start3A_56 : memref<1x64xf32, #tpu.memory_space<vmem>> -> memref<64xf32, #tpu.memory_space<vmem>>
        %dma_start3A_58 = arith.constant 0 : i32
        %dma_start3A_59 = tpu.memref_slice %arg2[%squeeze3A, %dma_start3A_58] : memref<1000000x64xf32, #tpu.memory_space<hbm>> -> memref<1x64xf32, #tpu.memory_space<hbm>>
        %dma_start3A_60 = tpu.memref_squeeze %dma_start3A_59 : memref<1x64xf32, #tpu.memory_space<hbm>> -> memref<64xf32, #tpu.memory_space<hbm>>
        %dma_start3A_61 = arith.constant 0 : i32
        %dma_start3A_62 = tpu.memref_slice %arg13[%add3A_55, %dma_start3A_61] : memref<128x64xf32, #tpu.memory_space<vmem>> -> memref<1x64xf32, #tpu.memory_space<vmem>>
        %dma_start3A_63 = tpu.memref_squeeze %dma_start3A_62 : memref<1x64xf32, #tpu.memory_space<vmem>> -> memref<64xf32, #tpu.memory_space<vmem>>
        %dma_start3A_64 = arith.constant 0 : i32
        %dma_start3A_65 = tpu.memref_slice %arg2[%squeeze3A, %dma_start3A_64] : memref<1000000x64xf32, #tpu.memory_space<hbm>> -> memref<1x64xf32, #tpu.memory_space<hbm>>
        %dma_start3A_66 = tpu.memref_squeeze %dma_start3A_65 : memref<1x64xf32, #tpu.memory_space<hbm>> -> memref<64xf32, #tpu.memory_space<hbm>>
        tpu.enqueue_dma source(%dma_start3A_66 : memref<64xf32, #tpu.memory_space<hbm>>) target(%dma_start3A_63 : memref<64xf32, #tpu.memory_space<vmem>>) target_semaphore(%arg17 : memref<!tpu.dma_semaphore, #tpu.memory_space<semaphore_mem>>)
        %slice3A_67 = vector.extract_strided_slice %get3A_45 {offsets = [0], sizes = [1], strides = [1]} : vector<16xi32> to vector<1xi32>
        %squeeze3A_68 = vector.extract %slice3A_67[0] : i32 from vector<1xi32>
        %dma_start3A_69 = arith.constant 0 : i32
        %dma_start3A_70 = tpu.memref_slice %arg14[%add3A_55, %dma_start3A_69] : memref<128x64xf32, #tpu.memory_space<vmem>> -> memref<1x64xf32, #tpu.memory_space<vmem>>
        %dma_start3A_71 = tpu.memref_squeeze %dma_start3A_70 : memref<1x64xf32, #tpu.memory_space<vmem>> -> memref<64xf32, #tpu.memory_space<vmem>>
        %dma_start3A_72 = arith.constant 0 : i32
        %dma_start3A_73 = tpu.memref_slice %arg2[%squeeze3A_68, %dma_start3A_72] : memref<1000000x64xf32, #tpu.memory_space<hbm>> -> memref<1x64xf32, #tpu.memory_space<hbm>>
        %dma_start3A_74 = tpu.memref_squeeze %dma_start3A_73 : memref<1x64xf32, #tpu.memory_space<hbm>> -> memref<64xf32, #tpu.memory_space<hbm>>
        %dma_start3A_75 = arith.constant 0 : i32
        %dma_start3A_76 = tpu.memref_slice %arg14[%add3A_55, %dma_start3A_75] : memref<128x64xf32, #tpu.memory_space<vmem>> -> memref<1x64xf32, #tpu.memory_space<vmem>>
        %dma_start3A_77 = tpu.memref_squeeze %dma_start3A_76 : memref<1x64xf32, #tpu.memory_space<vmem>> -> memref<64xf32, #tpu.memory_space<vmem>>
        %dma_start3A_78 = arith.constant 0 : i32
        %dma_start3A_79 = tpu.memref_slice %arg2[%squeeze3A_68, %dma_start3A_78] : memref<1000000x64xf32, #tpu.memory_space<hbm>> -> memref<1x64xf32, #tpu.memory_space<hbm>>
        %dma_start3A_80 = tpu.memref_squeeze %dma_start3A_79 : memref<1x64xf32, #tpu.memory_space<hbm>> -> memref<64xf32, #tpu.memory_space<hbm>>
        tpu.enqueue_dma source(%dma_start3A_80 : memref<64xf32, #tpu.memory_space<hbm>>) target(%dma_start3A_77 : memref<64xf32, #tpu.memory_space<vmem>>) target_semaphore(%arg18 : memref<!tpu.dma_semaphore, #tpu.memory_space<semaphore_mem>>)
        %slice3A_81 = vector.extract_strided_slice %mul3A_51 {offsets = [0], sizes = [1], strides = [1]} : vector<16xi32> to vector<1xi32>
        %squeeze3A_82 = vector.extract %slice3A_81[0] : i32 from vector<1xi32>
        %add3A_83 = arith.constant 0 : i32
        %add3A_84 = arith.addi %squeeze3A_82, %add3A_83 : i32
        %get3A_85 = arith.index_cast %add3A_84 : i32 to index
        %get3A_86 = tpu.vector_load %arg16[%get3A_85] {strides = array<i32>} : memref<64000xf32, #tpu.memory_space<vmem>>, vector<16xf32>,
        %get3A_87 = vector.shape_cast %get3A_86 : vector<16xf32> to vector<16xf32>
        %swap3A = arith.index_cast %add3A_55 : i32 to index
        %swap3A_88 = arith.constant 0 : index
        %swap3A_89 = tpu.vector_load %arg15[%swap3A, %swap3A_88] {strides = array<i32>} : memref<128x64xf32, #tpu.memory_space<vmem>>, vector<1x16xf32>,
        %swap3A_90 = vector.shape_cast %swap3A_89 : vector<1x16xf32> to vector<16xf32>
        %swap3A_91 = vector.shape_cast %get3A_87 : vector<16xf32> to vector<1x16xf32>
        tpu.vector_store %arg15[%swap3A, %swap3A_88], %swap3A_91 {strides = array<i32>} : memref<128x64xf32, #tpu.memory_space<vmem>>, vector<1x16xf32>,
        %add3A_92 = arith.constant 16 : i32
        %add3A_93 = arith.addi %squeeze3A_82, %add3A_92 : i32
        %get3A_94 = arith.index_cast %add3A_93 : i32 to index
        %get3A_95 = tpu.vector_load %arg16[%get3A_94] {strides = array<i32>} : memref<64000xf32, #tpu.memory_space<vmem>>, vector<16xf32>,
        %get3A_96 = vector.shape_cast %get3A_95 : vector<16xf32> to vector<16xf32>
        %swap3A_97 = arith.index_cast %add3A_55 : i32 to index
        %swap3A_98 = arith.constant 16 : index
        %swap3A_99 = tpu.vector_load %arg15[%swap3A_97, %swap3A_98] {strides = array<i32>} : memref<128x64xf32, #tpu.memory_space<vmem>>, vector<1x16xf32>,
        %swap3A_100 = vector.shape_cast %swap3A_99 : vector<1x16xf32> to vector<16xf32>
        %swap3A_101 = vector.shape_cast %get3A_96 : vector<16xf32> to vector<1x16xf32>
        tpu.vector_store %arg15[%swap3A_97, %swap3A_98], %swap3A_101 {strides = array<i32>} : memref<128x64xf32, #tpu.memory_space<vmem>>, vector<1x16xf32>,
        %add3A_102 = arith.constant 32 : i32
        %add3A_103 = arith.addi %squeeze3A_82, %add3A_102 : i32
        %get3A_104 = arith.index_cast %add3A_103 : i32 to index
        %get3A_105 = tpu.vector_load %arg16[%get3A_104] {strides = array<i32>} : memref<64000xf32, #tpu.memory_space<vmem>>, vector<16xf32>,
        %get3A_106 = vector.shape_cast %get3A_105 : vector<16xf32> to vector<16xf32>
        %swap3A_107 = arith.index_cast %add3A_55 : i32 to index
        %swap3A_108 = arith.constant 32 : index
        %swap3A_109 = tpu.vector_load %arg15[%swap3A_107, %swap3A_108] {strides = array<i32>} : memref<128x64xf32, #tpu.memory_space<vmem>>, vector<1x16xf32>,
        %swap3A_110 = vector.shape_cast %swap3A_109 : vector<1x16xf32> to vector<16xf32>
        %swap3A_111 = vector.shape_cast %get3A_106 : vector<16xf32> to vector<1x16xf32>
        tpu.vector_store %arg15[%swap3A_107, %swap3A_108], %swap3A_111 {strides = array<i32>} : memref<128x64xf32, #tpu.memory_space<vmem>>, vector<1x16xf32>,
        %add3A_112 = arith.constant 48 : i32
        %add3A_113 = arith.addi %squeeze3A_82, %add3A_112 : i32
        %get3A_114 = arith.index_cast %add3A_113 : i32 to index
        %get3A_115 = tpu.vector_load %arg16[%get3A_114] {strides = array<i32>} : memref<64000xf32, #tpu.memory_space<vmem>>, vector<16xf32>,
        %get3A_116 = vector.shape_cast %get3A_115 : vector<16xf32> to vector<16xf32>
        %swap3A_117 = arith.index_cast %add3A_55 : i32 to index
        %swap3A_118 = arith.constant 48 : index
        %swap3A_119 = tpu.vector_load %arg15[%swap3A_117, %swap3A_118] {strides = array<i32>} : memref<128x64xf32, #tpu.memory_space<vmem>>, vector<1x16xf32>,
        %swap3A_120 = vector.shape_cast %swap3A_119 : vector<1x16xf32> to vector<16xf32>
        %swap3A_121 = vector.shape_cast %get3A_116 : vector<16xf32> to vector<1x16xf32>
        tpu.vector_store %arg15[%swap3A_117, %swap3A_118], %swap3A_121 {strides = array<i32>} : memref<128x64xf32, #tpu.memory_space<vmem>>, vector<1x16xf32>,
        %mul3A_122 = arith.constant 16 : i32
        %mul3A_123 = arith.muli %add3A_37, %mul3A_122 : i32
        %add3A_124 = arith.constant 1 : i32
        %add3A_125 = arith.addi %mul3A_123, %add3A_124 : i32
        %slice3A_126 = vector.extract_strided_slice %get3A_42 {offsets = [1], sizes = [1], strides = [1]} : vector<16xi32> to vector<1xi32>
        %squeeze3A_127 = vector.extract %slice3A_126[0] : i32 from vector<1xi32>
        %dma_start3A_128 = arith.constant 0 : i32
        %dma_start3A_129 = tpu.memref_slice %arg13[%add3A_125, %dma_start3A_128] : memref<128x64xf32, #tpu.memory_space<vmem>> -> memref<1x64xf32, #tpu.memory_space<vmem>>
        %dma_start3A_130 = tpu.memref_squeeze %dma_start3A_129 : memref<1x64xf32, #tpu.memory_space<vmem>> -> memref<64xf32, #tpu.memory_space<vmem>>
        %dma_start3A_131 = arith.constant 0 : i32
        %dma_start3A_132 = tpu.memref_slice %arg2[%squeeze3A_127, %dma_start3A_131] : memref<1000000x64xf32, #tpu.memory_space<hbm>> -> memref<1x64xf32, #tpu.memory_space<hbm>>
        %dma_start3A_133 = tpu.memref_squeeze %dma_start3A_132 : memref<1x64xf32, #tpu.memory_space<hbm>> -> memref<64xf32, #tpu.memory_space<hbm>>
        %dma_start3A_134 = arith.constant 0 : i32
        %dma_start3A_135 = tpu.memref_slice %arg13[%add3A_125, %dma_start3A_134] : memref<128x64xf32, #tpu.memory_space<vmem>> -> memref<1x64xf32, #tpu.memory_space<vmem>>
        %dma_start3A_136 = tpu.memref_squeeze %dma_start3A_135 : memref<1x64xf32, #tpu.memory_space<vmem>> -> memref<64xf32, #tpu.memory_space<vmem>>
        %dma_start3A_137 = arith.constant 0 : i32
        %dma_start3A_138 = tpu.memref_slice %arg2[%squeeze3A_127, %dma_start3A_137] : memref<1000000x64xf32, #tpu.memory_space<hbm>> -> memref<1x64xf32, #tpu.memory_space<hbm>>
        %dma_start3A_139 = tpu.memref_squeeze %dma_start3A_138 : memref<1x64xf32, #tpu.memory_space<hbm>> -> memref<64xf32, #tpu.memory_space<hbm>>
        tpu.enqueue_dma source(%dma_start3A_139 : memref<64xf32, #tpu.memory_space<hbm>>) target(%dma_start3A_136 : memref<64xf32, #tpu.memory_space<vmem>>) target_semaphore(%arg17 : memref<!tpu.dma_semaphore, #tpu.memory_space<semaphore_mem>>)
        %slice3A_140 = vector.extract_strided_slice %get3A_45 {offsets = [1], sizes = [1], strides = [1]} : vector<16xi32> to vector<1xi32>
        %squeeze3A_141 = vector.extract %slice3A_140[0] : i32 from vector<1xi32>
        %dma_start3A_142 = arith.constant 0 : i32
        %dma_start3A_143 = tpu.memref_slice %arg14[%add3A_125, %dma_start3A_142] : memref<128x64xf32, #tpu.memory_space<vmem>> -> memref<1x64xf32, #tpu.memory_space<vmem>>
        %dma_start3A_144 = tpu.memref_squeeze %dma_start3A_143 : memref<1x64xf32, #tpu.memory_space<vmem>> -> memref<64xf32, #tpu.memory_space<vmem>>
        %dma_start3A_145 = arith.constant 0 : i32
        %dma_start3A_146 = tpu.memref_slice %arg2[%squeeze3A_141, %dma_start3A_145] : memref<1000000x64xf32, #tpu.memory_space<hbm>> -> memref<1x64xf32, #tpu.memory_space<hbm>>
        %dma_start3A_147 = tpu.memref_squeeze %dma_start3A_146 : memref<1x64xf32, #tpu.memory_space<hbm>> -> memref<64xf32, #tpu.memory_space<hbm>>
        %dma_start3A_148 = arith.constant 0 : i32
        %dma_start3A_149 = tpu.memref_slice %arg14[%add3A_125, %dma_start3A_148] : memref<128x64xf32, #tpu.memory_space<vmem>> -> memref<1x64xf32, #tpu.memory_space<vmem>>
        %dma_start3A_150 = tpu.memref_squeeze %dma_start3A_149 : memref<1x64xf32, #tpu.memory_space<vmem>> -> memref<64xf32, #tpu.memory_space<vmem>>
        %dma_start3A_151 = arith.constant 0 : i32
        %dma_start3A_152 = tpu.memref_slice %arg2[%squeeze3A_141, %dma_start3A_151] : memref<1000000x64xf32, #tpu.memory_space<hbm>> -> memref<1x64xf32, #tpu.memory_space<hbm>>
        %dma_start3A_153 = tpu.memref_squeeze %dma_start3A_152 : memref<1x64xf32, #tpu.memory_space<hbm>> -> memref<64xf32, #tpu.memory_space<hbm>>
        tpu.enqueue_dma source(%dma_start3A_153 : memref<64xf32, #tpu.memory_space<hbm>>) target(%dma_start3A_150 : memref<64xf32, #tpu.memory_space<vmem>>) target_semaphore(%arg18 : memref<!tpu.dma_semaphore, #tpu.memory_space<semaphore_mem>>)
        %slice3A_154 = vector.extract_strided_slice %mul3A_51 {offsets = [1], sizes = [1], strides = [1]} : vector<16xi32> to vector<1xi32>
        %squeeze3A_155 = vector.extract %slice3A_154[0] : i32 from vector<1xi32>
        %add3A_156 = arith.constant 0 : i32
        %add3A_157 = arith.addi %squeeze3A_155, %add3A_156 : i32
        %get3A_158 = arith.index_cast %add3A_157 : i32 to index
        %get3A_159 = tpu.vector_load %arg16[%get3A_158] {strides = array<i32>} : memref<64000xf32, #tpu.memory_space<vmem>>, vector<16xf32>,
        %get3A_160 = vector.shape_cast %get3A_159 : vector<16xf32> to vector<16xf32>
        %swap3A_161 = arith.index_cast %add3A_125 : i32 to index
        %swap3A_162 = arith.constant 0 : index
        %swap3A_163 = tpu.vector_load %arg15[%swap3A_161, %swap3A_162] {strides = array<i32>} : memref<128x64xf32, #tpu.memory_space<vmem>>, vector<1x16xf32>,
        %swap3A_164 = vector.shape_cast %swap3A_163 : vector<1x16xf32> to vector<16xf32>
        %swap3A_165 = vector.shape_cast %get3A_160 : vector<16xf32> to vector<1x16xf32>
        tpu.vector_store %arg15[%swap3A_161, %swap3A_162], %swap3A_165 {strides = array<i32>} : memref<128x64xf32, #tpu.memory_space<vmem>>, vector<1x16xf32>,
        %add3A_166 = arith.constant 16 : i32
        %add3A_167 = arith.addi %squeeze3A_155, %add3A_166 : i32
        %get3A_168 = arith.index_cast %add3A_167 : i32 to index
        %get3A_169 = tpu.vector_load %arg16[%get3A_168] {strides = array<i32>} : memref<64000xf32, #tpu.memory_space<vmem>>, vector<16xf32>,
        %get3A_170 = vector.shape_cast %get3A_169 : vector<16xf32> to vector<16xf32>
        %swap3A_171 = arith.index_cast %add3A_125 : i32 to index
        %swap3A_172 = arith.constant 16 : index
        %swap3A_173 = tpu.vector_load %arg15[%swap3A_171, %swap3A_172] {strides = array<i32>} : memref<128x64xf32, #tpu.memory_space<vmem>>, vector<1x16xf32>,
        %swap3A_174 = vector.shape_cast %swap3A_173 : vector<1x16xf32> to vector<16xf32>
        %swap3A_175 = vector.shape_cast %get3A_170 : vector<16xf32> to vector<1x16xf32>
        tpu.vector_store %arg15[%swap3A_171, %swap3A_172], %swap3A_175 {strides = array<i32>} : memref<128x64xf32, #tpu.memory_space<vmem>>, vector<1x16xf32>,
        %add3A_176 = arith.constant 32 : i32
        %add3A_177 = arith.addi %squeeze3A_155, %add3A_176 : i32
        %get3A_178 = arith.index_cast %add3A_177 : i32 to index
        %get3A_179 = tpu.vector_load %arg16[%get3A_178] {strides = array<i32>} : memref<64000xf32, #tpu.memory_space<vmem>>, vector<16xf32>,
        %get3A_180 = vector.shape_cast %get3A_179 : vector<16xf32> to vector<16xf32>
        %swap3A_181 = arith.index_cast %add3A_125 : i32 to index
        %swap3A_182 = arith.constant 32 : index
        %swap3A_183 = tpu.vector_load %arg15[%swap3A_181, %swap3A_182] {strides = array<i32>} : memref<128x64xf32, #tpu.memory_space<vmem>>, vector<1x16xf32>,
        %swap3A_184 = vector.shape_cast %swap3A_183 : vector<1x16xf32> to vector<16xf32>
        %swap3A_185 = vector.shape_cast %get3A_180 : vector<16xf32> to vector<1x16xf32>
        tpu.vector_store %arg15[%swap3A_181, %swap3A_182], %swap3A_185 {strides = array<i32>} : memref<128x64xf32, #tpu.memory_space<vmem>>, vector<1x16xf32>,
        %add3A_186 = arith.constant 48 : i32
        %add3A_187 = arith.addi %squeeze3A_155, %add3A_186 : i32
        %get3A_188 = arith.index_cast %add3A_187 : i32 to index
        %get3A_189 = tpu.vector_load %arg16[%get3A_188] {strides = array<i32>} : memref<64000xf32, #tpu.memory_space<vmem>>, vector<16xf32>,
        %get3A_190 = vector.shape_cast %get3A_189 : vector<16xf32> to vector<16xf32>
        %swap3A_191 = arith.index_cast %add3A_125 : i32 to index
        %swap3A_192 = arith.constant 48 : index
        %swap3A_193 = tpu.vector_load %arg15[%swap3A_191, %swap3A_192] {strides = array<i32>} : memref<128x64xf32, #tpu.memory_space<vmem>>, vector<1x16xf32>,
        %swap3A_194 = vector.shape_cast %swap3A_193 : vector<1x16xf32> to vector<16xf32>
        %swap3A_195 = vector.shape_cast %get3A_190 : vector<16xf32> to vector<1x16xf32>
        tpu.vector_store %arg15[%swap3A_191, %swap3A_192], %swap3A_195 {strides = array<i32>} : memref<128x64xf32, #tpu.memory_space<vmem>>, vector<1x16xf32>,
        %mul3A_196 = arith.constant 16 : i32
        %mul3A_197 = arith.muli %add3A_37, %mul3A_196 : i32
        %add3A_198 = arith.constant 2 : i32
        %add3A_199 = arith.addi %mul3A_197, %add3A_198 : i32
        %slice3A_200 = vector.extract_strided_slice %get3A_42 {offsets = [2], sizes = [1], strides = [1]} : vector<16xi32> to vector<1xi32>
        %squeeze3A_201 = vector.extract %slice3A_200[0] : i32 from vector<1xi32>
        %dma_start3A_202 = arith.constant 0 : i32
        %dma_start3A_203 = tpu.memref_slice %arg13[%add3A_199, %dma_start3A_202] : memref<128x64xf32, #tpu.memory_space<vmem>> -> memref<1x64xf32, #tpu.memory_space<vmem>>
        %dma_start3A_204 = tpu.memref_squeeze %dma_start3A_203 : memref<1x64xf32, #tpu.memory_space<vmem>> -> memref<64xf32, #tpu.memory_space<vmem>>
        %dma_start3A_205 = arith.constant 0 : i32
        %dma_start3A_206 = tpu.memref_slice %arg2[%squeeze3A_201, %dma_start3A_205] : memref<1000000x64xf32, #tpu.memory_space<hbm>> -> memref<1x64xf32, #tpu.memory_space<hbm>>
        %dma_start3A_207 = tpu.memref_squeeze %dma_start3A_206 : memref<1x64xf32, #tpu.memory_space<hbm>> -> memref<64xf32, #tpu.memory_space<hbm>>
        %dma_start3A_208 = arith.constant 0 : i32
        %dma_start3A_209 = tpu.memref_slice %arg13[%add3A_199, %dma_start3A_208] : memref<128x64xf32, #tpu.memory_space<vmem>> -> memref<1x64xf32, #tpu.memory_space<vmem>>
        %dma_start3A_210 = tpu.memref_squeeze %dma_start3A_209 : memref<1x64xf32, #tpu.memory_space<vmem>> -> memref<64xf32, #tpu.memory_space<vmem>>
        %dma_start3A_211 = arith.constant 0 : i32
        %dma_start3A_212 = tpu.memref_slice %arg2[%squeeze3A_201, %dma_start3A_211] : memref<1000000x64xf32, #tpu.memory_space<hbm>> -> memref<1x64xf32, #tpu.memory_space<hbm>>
        %dma_start3A_213 = tpu.memref_squeeze %dma_start3A_212 : memref<1x64xf32, #tpu.memory_space<hbm>> -> memref<64xf32, #tpu.memory_space<hbm>>
        tpu.enqueue_dma source(%dma_start3A_213 : memref<64xf32, #tpu.memory_space<hbm>>) target(%dma_start3A_210 : memref<64xf32, #tpu.memory_space<vmem>>) target_semaphore(%arg17 : memref<!tpu.dma_semaphore, #tpu.memory_space<semaphore_mem>>)
        %slice3A_214 = vector.extract_strided_slice %get3A_45 {offsets = [2], sizes = [1], strides = [1]} : vector<16xi32> to vector<1xi32>
        %squeeze3A_215 = vector.extract %slice3A_214[0] : i32 from vector<1xi32>
        %dma_start3A_216 = arith.constant 0 : i32
        %dma_start3A_217 = tpu.memref_slice %arg14[%add3A_199, %dma_start3A_216] : memref<128x64xf32, #tpu.memory_space<vmem>> -> memref<1x64xf32, #tpu.memory_space<vmem>>
        %dma_start3A_218 = tpu.memref_squeeze %dma_start3A_217 : memref<1x64xf32, #tpu.memory_space<vmem>> -> memref<64xf32, #tpu.memory_space<vmem>>
        %dma_start3A_219 = arith.constant 0 : i32
        %dma_start3A_220 = tpu.memref_slice %arg2[%squeeze3A_215, %dma_start3A_219] : memref<1000000x64xf32, #tpu.memory_space<hbm>> -> memref<1x64xf32, #tpu.memory_space<hbm>>
        %dma_start3A_221 = tpu.memref_squeeze %dma_start3A_220 : memref<1x64xf32, #tpu.memory_space<hbm>> -> memref<64xf32, #tpu.memory_space<hbm>>
        %dma_start3A_222 = arith.constant 0 : i32
        %dma_start3A_223 = tpu.memref_slice %arg14[%add3A_199, %dma_start3A_222] : memref<128x64xf32, #tpu.memory_space<vmem>> -> memref<1x64xf32, #tpu.memory_space<vmem>>
        %dma_start3A_224 = tpu.memref_squeeze %dma_start3A_223 : memref<1x64xf32, #tpu.memory_space<vmem>> -> memref<64xf32, #tpu.memory_space<vmem>>
        %dma_start3A_225 = arith.constant 0 : i32
        %dma_start3A_226 = tpu.memref_slice %arg2[%squeeze3A_215, %dma_start3A_225] : memref<1000000x64xf32, #tpu.memory_space<hbm>> -> memref<1x64xf32, #tpu.memory_space<hbm>>
        %dma_start3A_227 = tpu.memref_squeeze %dma_start3A_226 : memref<1x64xf32, #tpu.memory_space<hbm>> -> memref<64xf32, #tpu.memory_space<hbm>>
        tpu.enqueue_dma source(%dma_start3A_227 : memref<64xf32, #tpu.memory_space<hbm>>) target(%dma_start3A_224 : memref<64xf32, #tpu.memory_space<vmem>>) target_semaphore(%arg18 : memref<!tpu.dma_semaphore, #tpu.memory_space<semaphore_mem>>)
        %slice3A_228 = vector.extract_strided_slice %mul3A_51 {offsets = [2], sizes = [1], strides = [1]} : vector<16xi32> to vector<1xi32>
        %squeeze3A_229 = vector.extract %slice3A_228[0] : i32 from vector<1xi32>
        %add3A_230 = arith.constant 0 : i32
        %add3A_231 = arith.addi %squeeze3A_229, %add3A_230 : i32
        %get3A_232 = arith.index_cast %add3A_231 : i32 to index
        %get3A_233 = tpu.vector_load %arg16[%get3A_232] {strides = array<i32>} : memref<64000xf32, #tpu.memory_space<vmem>>, vector<16xf32>,
        %get3A_234 = vector.shape_cast %get3A_233 : vector<16xf32> to vector<16xf32>
        %swap3A_235 = arith.index_cast %add3A_199 : i32 to index
        %swap3A_236 = arith.constant 0 : index
        %swap3A_237 = tpu.vector_load %arg15[%swap3A_235, %swap3A_236] {strides = array<i32>} : memref<128x64xf32, #tpu.memory_space<vmem>>, vector<1x16xf32>,
        %swap3A_238 = vector.shape_cast %swap3A_237 : vector<1x16xf32> to vector<16xf32>
        %swap3A_239 = vector.shape_cast %get3A_234 : vector<16xf32> to vector<1x16xf32>
        tpu.vector_store %arg15[%swap3A_235, %swap3A_236], %swap3A_239 {strides = array<i32>} : memref<128x64xf32, #tpu.memory_space<vmem>>, vector<1x16xf32>,
        %add3A_240 = arith.constant 16 : i32
        %add3A_241 = arith.addi %squeeze3A_229, %add3A_240 : i32
        %get3A_242 = arith.index_cast %add3A_241 : i32 to index
        %get3A_243 = tpu.vector_load %arg16[%get3A_242] {strides = array<i32>} : memref<64000xf32, #tpu.memory_space<vmem>>, vector<16xf32>,
        %get3A_244 = vector.shape_cast %get3A_243 : vector<16xf32> to vector<16xf32>
        %swap3A_245 = arith.index_cast %add3A_199 : i32 to index
        %swap3A_246 = arith.constant 16 : index
        %swap3A_247 = tpu.vector_load %arg15[%swap3A_245, %swap3A_246] {strides = array<i32>} : memref<128x64xf32, #tpu.memory_space<vmem>>, vector<1x16xf32>,
        %swap3A_248 = vector.shape_cast %swap3A_247 : vector<1x16xf32> to vector<16xf32>
        %swap3A_249 = vector.shape_cast %get3A_244 : vector<16xf32> to vector<1x16xf32>
        tpu.vector_store %arg15[%swap3A_245, %swap3A_246], %swap3A_249 {strides = array<i32>} : memref<128x64xf32, #tpu.memory_space<vmem>>, vector<1x16xf32>,
        %add3A_250 = arith.constant 32 : i32
        %add3A_251 = arith.addi %squeeze3A_229, %add3A_250 : i32
        %get3A_252 = arith.index_cast %add3A_251 : i32 to index
        %get3A_253 = tpu.vector_load %arg16[%get3A_252] {strides = array<i32>} : memref<64000xf32, #tpu.memory_space<vmem>>, vector<16xf32>,
        %get3A_254 = vector.shape_cast %get3A_253 : vector<16xf32> to vector<16xf32>
        %swap3A_255 = arith.index_cast %add3A_199 : i32 to index
        %swap3A_256 = arith.constant 32 : index
        %swap3A_257 = tpu.vector_load %arg15[%swap3A_255, %swap3A_256] {strides = array<i32>} : memref<128x64xf32, #tpu.memory_space<vmem>>, vector<1x16xf32>,
        %swap3A_258 = vector.shape_cast %swap3A_257 : vector<1x16xf32> to vector<16xf32>
        %swap3A_259 = vector.shape_cast %get3A_254 : vector<16xf32> to vector<1x16xf32>
        tpu.vector_store %arg15[%swap3A_255, %swap3A_256], %swap3A_259 {strides = array<i32>} : memref<128x64xf32, #tpu.memory_space<vmem>>, vector<1x16xf32>,
        %add3A_260 = arith.constant 48 : i32
        %add3A_261 = arith.addi %squeeze3A_229, %add3A_260 : i32
        %get3A_262 = arith.index_cast %add3A_261 : i32 to index
        %get3A_263 = tpu.vector_load %arg16[%get3A_262] {strides = array<i32>} : memref<64000xf32, #tpu.memory_space<vmem>>, vector<16xf32>,
        %get3A_264 = vector.shape_cast %get3A_263 : vector<16xf32> to vector<16xf32>
        %swap3A_265 = arith.index_cast %add3A_199 : i32 to index
        %swap3A_266 = arith.constant 48 : index
        %swap3A_267 = tpu.vector_load %arg15[%swap3A_265, %swap3A_266] {strides = array<i32>} : memref<128x64xf32, #tpu.memory_space<vmem>>, vector<1x16xf32>,
        %swap3A_268 = vector.shape_cast %swap3A_267 : vector<1x16xf32> to vector<16xf32>
        %swap3A_269 = vector.shape_cast %get3A_264 : vector<16xf32> to vector<1x16xf32>
        tpu.vector_store %arg15[%swap3A_265, %swap3A_266], %swap3A_269 {strides = array<i32>} : memref<128x64xf32, #tpu.memory_space<vmem>>, vector<1x16xf32>,
        %mul3A_270 = arith.constant 16 : i32
        %mul3A_271 = arith.muli %add3A_37, %mul3A_270 : i32
        %add3A_272 = arith.constant 3 : i32
        %add3A_273 = arith.addi %mul3A_271, %add3A_272 : i32
        %slice3A_274 = vector.extract_strided_slice %get3A_42 {offsets = [3], sizes = [1], strides = [1]} : vector<16xi32> to vector<1xi32>
        %squeeze3A_275 = vector.extract %slice3A_274[0] : i32 from vector<1xi32>
        %dma_start3A_276 = arith.constant 0 : i32
        %dma_start3A_277 = tpu.memref_slice %arg13[%add3A_273, %dma_start3A_276] : memref<128x64xf32, #tpu.memory_space<vmem>> -> memref<1x64xf32, #tpu.memory_space<vmem>>
        %dma_start3A_278 = tpu.memref_squeeze %dma_start3A_277 : memref<1x64xf32, #tpu.memory_space<vmem>> -> memref<64xf32, #tpu.memory_space<vmem>>
        %dma_start3A_279 = arith.constant 0 : i32
        %dma_start3A_280 = tpu.memref_slice %arg2[%squeeze3A_275, %dma_start3A_279] : memref<1000000x64xf32, #tpu.memory_space<hbm>> -> memref<1x64xf32, #tpu.memory_space<hbm>>
        %dma_start3A_281 = tpu.memref_squeeze %dma_start3A_280 : memref<1x64xf32, #tpu.memory_space<hbm>> -> memref<64xf32, #tpu.memory_space<hbm>>
        %dma_start3A_282 = arith.constant 0 : i32
        %dma_start3A_283 = tpu.memref_slice %arg13[%add3A_273, %dma_start3A_282] : memref<128x64xf32, #tpu.memory_space<vmem>> -> memref<1x64xf32, #tpu.memory_space<vmem>>
        %dma_start3A_284 = tpu.memref_squeeze %dma_start3A_283 : memref<1x64xf32, #tpu.memory_space<vmem>> -> memref<64xf32, #tpu.memory_space<vmem>>
        %dma_start3A_285 = arith.constant 0 : i32
        %dma_start3A_286 = tpu.memref_slice %arg2[%squeeze3A_275, %dma_start3A_285] : memref<1000000x64xf32, #tpu.memory_space<hbm>> -> memref<1x64xf32, #tpu.memory_space<hbm>>
        %dma_start3A_287 = tpu.memref_squeeze %dma_start3A_286 : memref<1x64xf32, #tpu.memory_space<hbm>> -> memref<64xf32, #tpu.memory_space<hbm>>
        tpu.enqueue_dma source(%dma_start3A_287 : memref<64xf32, #tpu.memory_space<hbm>>) target(%dma_start3A_284 : memref<64xf32, #tpu.memory_space<vmem>>) target_semaphore(%arg17 : memref<!tpu.dma_semaphore, #tpu.memory_space<semaphore_mem>>)
        %slice3A_288 = vector.extract_strided_slice %get3A_45 {offsets = [3], sizes = [1], strides = [1]} : vector<16xi32> to vector<1xi32>
        %squeeze3A_289 = vector.extract %slice3A_288[0] : i32 from vector<1xi32>
        %dma_start3A_290 = arith.constant 0 : i32
        %dma_start3A_291 = tpu.memref_slice %arg14[%add3A_273, %dma_start3A_290] : memref<128x64xf32, #tpu.memory_space<vmem>> -> memref<1x64xf32, #tpu.memory_space<vmem>>
        %dma_start3A_292 = tpu.memref_squeeze %dma_start3A_291 : memref<1x64xf32, #tpu.memory_space<vmem>> -> memref<64xf32, #tpu.memory_space<vmem>>
        %dma_start3A_293 = arith.constant 0 : i32
        %dma_start3A_294 = tpu.memref_slice %arg2[%squeeze3A_289, %dma_start3A_293] : memref<1000000x64xf32, #tpu.memory_space<hbm>> -> memref<1x64xf32, #tpu.memory_space<hbm>>
        %dma_start3A_295 = tpu.memref_squeeze %dma_start3A_294 : memref<1x64xf32, #tpu.memory_space<hbm>> -> memref<64xf32, #tpu.memory_space<hbm>>
        %dma_start3A_296 = arith.constant 0 : i32
        %dma_start3A_297 = tpu.memref_slice %arg14[%add3A_273, %dma_start3A_296] : memref<128x64xf32, #tpu.memory_space<vmem>> -> memref<1x64xf32, #tpu.memory_space<vmem>>
        %dma_start3A_298 = tpu.memref_squeeze %dma_start3A_297 : memref<1x64xf32, #tpu.memory_space<vmem>> -> memref<64xf32, #tpu.memory_space<vmem>>
        %dma_start3A_299 = arith.constant 0 : i32
        %dma_start3A_300 = tpu.memref_slice %arg2[%squeeze3A_289, %dma_start3A_299] : memref<1000000x64xf32, #tpu.memory_space<hbm>> -> memref<1x64xf32, #tpu.memory_space<hbm>>
        %dma_start3A_301 = tpu.memref_squeeze %dma_start3A_300 : memref<1x64xf32, #tpu.memory_space<hbm>> -> memref<64xf32, #tpu.memory_space<hbm>>
        tpu.enqueue_dma source(%dma_start3A_301 : memref<64xf32, #tpu.memory_space<hbm>>) target(%dma_start3A_298 : memref<64xf32, #tpu.memory_space<vmem>>) target_semaphore(%arg18 : memref<!tpu.dma_semaphore, #tpu.memory_space<semaphore_mem>>)
        %slice3A_302 = vector.extract_strided_slice %mul3A_51 {offsets = [3], sizes = [1], strides = [1]} : vector<16xi32> to vector<1xi32>
        %squeeze3A_303 = vector.extract %slice3A_302[0] : i32 from vector<1xi32>
        %add3A_304 = arith.constant 0 : i32
        %add3A_305 = arith.addi %squeeze3A_303, %add3A_304 : i32
        %get3A_306 = arith.index_cast %add3A_305 : i32 to index
        %get3A_307 = tpu.vector_load %arg16[%get3A_306] {strides = array<i32>} : memref<64000xf32, #tpu.memory_space<vmem>>, vector<16xf32>,
        %get3A_308 = vector.shape_cast %get3A_307 : vector<16xf32> to vector<16xf32>
        %swap3A_309 = arith.index_cast %add3A_273 : i32 to index
        %swap3A_310 = arith.constant 0 : index
        %swap3A_311 = tpu.vector_load %arg15[%swap3A_309, %swap3A_310] {strides = array<i32>} : memref<128x64xf32, #tpu.memory_space<vmem>>, vector<1x16xf32>,
        %swap3A_312 = vector.shape_cast %swap3A_311 : vector<1x16xf32> to vector<16xf32>
        %swap3A_313 = vector.shape_cast %get3A_308 : vector<16xf32> to vector<1x16xf32>
        tpu.vector_store %arg15[%swap3A_309, %swap3A_310], %swap3A_313 {strides = array<i32>} : memref<128x64xf32, #tpu.memory_space<vmem>>, vector<1x16xf32>,
        %add3A_314 = arith.constant 16 : i32
        %add3A_315 = arith.addi %squeeze3A_303, %add3A_314 : i32
        %get3A_316 = arith.index_cast %add3A_315 : i32 to index
        %get3A_317 = tpu.vector_load %arg16[%get3A_316] {strides = array<i32>} : memref<64000xf32, #tpu.memory_space<vmem>>, vector<16xf32>,
        %get3A_318 = vector.shape_cast %get3A_317 : vector<16xf32> to vector<16xf32>
        %swap3A_319 = arith.index_cast %add3A_273 : i32 to index
        %swap3A_320 = arith.constant 16 : index
        %swap3A_321 = tpu.vector_load %arg15[%swap3A_319, %swap3A_320] {strides = array<i32>} : memref<128x64xf32, #tpu.memory_space<vmem>>, vector<1x16xf32>,
        %swap3A_322 = vector.shape_cast %swap3A_321 : vector<1x16xf32> to vector<16xf32>
        %swap3A_323 = vector.shape_cast %get3A_318 : vector<16xf32> to vector<1x16xf32>
        tpu.vector_store %arg15[%swap3A_319, %swap3A_320], %swap3A_323 {strides = array<i32>} : memref<128x64xf32, #tpu.memory_space<vmem>>, vector<1x16xf32>,
        %add3A_324 = arith.constant 32 : i32
        %add3A_325 = arith.addi %squeeze3A_303, %add3A_324 : i32
        %get3A_326 = arith.index_cast %add3A_325 : i32 to index
        %get3A_327 = tpu.vector_load %arg16[%get3A_326] {strides = array<i32>} : memref<64000xf32, #tpu.memory_space<vmem>>, vector<16xf32>,
        %get3A_328 = vector.shape_cast %get3A_327 : vector<16xf32> to vector<16xf32>
        %swap3A_329 = arith.index_cast %add3A_273 : i32 to index
        %swap3A_330 = arith.constant 32 : index
        %swap3A_331 = tpu.vector_load %arg15[%swap3A_329, %swap3A_330] {strides = array<i32>} : memref<128x64xf32, #tpu.memory_space<vmem>>, vector<1x16xf32>,
        %swap3A_332 = vector.shape_cast %swap3A_331 : vector<1x16xf32> to vector<16xf32>
        %swap3A_333 = vector.shape_cast %get3A_328 : vector<16xf32> to vector<1x16xf32>
        tpu.vector_store %arg15[%swap3A_329, %swap3A_330], %swap3A_333 {strides = array<i32>} : memref<128x64xf32, #tpu.memory_space<vmem>>, vector<1x16xf32>,
        %add3A_334 = arith.constant 48 : i32
        %add3A_335 = arith.addi %squeeze3A_303, %add3A_334 : i32
        %get3A_336 = arith.index_cast %add3A_335 : i32 to index
        %get3A_337 = tpu.vector_load %arg16[%get3A_336] {strides = array<i32>} : memref<64000xf32, #tpu.memory_space<vmem>>, vector<16xf32>,
        %get3A_338 = vector.shape_cast %get3A_337 : vector<16xf32> to vector<16xf32>
        %swap3A_339 = arith.index_cast %add3A_273 : i32 to index
        %swap3A_340 = arith.constant 48 : index
        %swap3A_341 = tpu.vector_load %arg15[%swap3A_339, %swap3A_340] {strides = array<i32>} : memref<128x64xf32, #tpu.memory_space<vmem>>, vector<1x16xf32>,
        %swap3A_342 = vector.shape_cast %swap3A_341 : vector<1x16xf32> to vector<16xf32>
        %swap3A_343 = vector.shape_cast %get3A_338 : vector<16xf32> to vector<1x16xf32>
        tpu.vector_store %arg15[%swap3A_339, %swap3A_340], %swap3A_343 {strides = array<i32>} : memref<128x64xf32, #tpu.memory_space<vmem>>, vector<1x16xf32>,
        %mul3A_344 = arith.constant 16 : i32
        %mul3A_345 = arith.muli %add3A_37, %mul3A_344 : i32
        %add3A_346 = arith.constant 4 : i32
        %add3A_347 = arith.addi %mul3A_345, %add3A_346 : i32
        %slice3A_348 = vector.extract_strided_slice %get3A_42 {offsets = [4], sizes = [1], strides = [1]} : vector<16xi32> to vector<1xi32>
        %squeeze3A_349 = vector.extract %slice3A_348[0] : i32 from vector<1xi32>
        %dma_start3A_350 = arith.constant 0 : i32
        %dma_start3A_351 = tpu.memref_slice %arg13[%add3A_347, %dma_start3A_350] : memref<128x64xf32, #tpu.memory_space<vmem>> -> memref<1x64xf32, #tpu.memory_space<vmem>>
        %dma_start3A_352 = tpu.memref_squeeze %dma_start3A_351 : memref<1x64xf32, #tpu.memory_space<vmem>> -> memref<64xf32, #tpu.memory_space<vmem>>
        %dma_start3A_353 = arith.constant 0 : i32
        %dma_start3A_354 = tpu.memref_slice %arg2[%squeeze3A_349, %dma_start3A_353] : memref<1000000x64xf32, #tpu.memory_space<hbm>> -> memref<1x64xf32, #tpu.memory_space<hbm>>
        %dma_start3A_355 = tpu.memref_squeeze %dma_start3A_354 : memref<1x64xf32, #tpu.memory_space<hbm>> -> memref<64xf32, #tpu.memory_space<hbm>>
        %dma_start3A_356 = arith.constant 0 : i32
        %dma_start3A_357 = tpu.memref_slice %arg13[%add3A_347, %dma_start3A_356] : memref<128x64xf32, #tpu.memory_space<vmem>> -> memref<1x64xf32, #tpu.memory_space<vmem>>
        %dma_start3A_358 = tpu.memref_squeeze %dma_start3A_357 : memref<1x64xf32, #tpu.memory_space<vmem>> -> memref<64xf32, #tpu.memory_space<vmem>>
        %dma_start3A_359 = arith.constant 0 : i32
        %dma_start3A_360 = tpu.memref_slice %arg2[%squeeze3A_349, %dma_start3A_359] : memref<1000000x64xf32, #tpu.memory_space<hbm>> -> memref<1x64xf32, #tpu.memory_space<hbm>>
        %dma_start3A_361 = tpu.memref_squeeze %dma_start3A_360 : memref<1x64xf32, #tpu.memory_space<hbm>> -> memref<64xf32, #tpu.memory_space<hbm>>
        tpu.enqueue_dma source(%dma_start3A_361 : memref<64xf32, #tpu.memory_space<hbm>>) target(%dma_start3A_358 : memref<64xf32, #tpu.memory_space<vmem>>) target_semaphore(%arg17 : memref<!tpu.dma_semaphore, #tpu.memory_space<semaphore_mem>>)
        %slice3A_362 = vector.extract_strided_slice %get3A_45 {offsets = [4], sizes = [1], strides = [1]} : vector<16xi32> to vector<1xi32>
        %squeeze3A_363 = vector.extract %slice3A_362[0] : i32 from vector<1xi32>
        %dma_start3A_364 = arith.constant 0 : i32
        %dma_start3A_365 = tpu.memref_slice %arg14[%add3A_347, %dma_start3A_364] : memref<128x64xf32, #tpu.memory_space<vmem>> -> memref<1x64xf32, #tpu.memory_space<vmem>>
        %dma_start3A_366 = tpu.memref_squeeze %dma_start3A_365 : memref<1x64xf32, #tpu.memory_space<vmem>> -> memref<64xf32, #tpu.memory_space<vmem>>
        %dma_start3A_367 = arith.constant 0 : i32
        %dma_start3A_368 = tpu.memref_slice %arg2[%squeeze3A_363, %dma_start3A_367] : memref<1000000x64xf32, #tpu.memory_space<hbm>> -> memref<1x64xf32, #tpu.memory_space<hbm>>
        %dma_start3A_369 = tpu.memref_squeeze %dma_start3A_368 : memref<1x64xf32, #tpu.memory_space<hbm>> -> memref<64xf32, #tpu.memory_space<hbm>>
        %dma_start3A_370 = arith.constant 0 : i32
        %dma_start3A_371 = tpu.memref_slice %arg14[%add3A_347, %dma_start3A_370] : memref<128x64xf32, #tpu.memory_space<vmem>> -> memref<1x64xf32, #tpu.memory_space<vmem>>
        %dma_start3A_372 = tpu.memref_squeeze %dma_start3A_371 : memref<1x64xf32, #tpu.memory_space<vmem>> -> memref<64xf32, #tpu.memory_space<vmem>>
        %dma_start3A_373 = arith.constant 0 : i32
        %dma_start3A_374 = tpu.memref_slice %arg2[%squeeze3A_363, %dma_start3A_373] : memref<1000000x64xf32, #tpu.memory_space<hbm>> -> memref<1x64xf32, #tpu.memory_space<hbm>>
        %dma_start3A_375 = tpu.memref_squeeze %dma_start3A_374 : memref<1x64xf32, #tpu.memory_space<hbm>> -> memref<64xf32, #tpu.memory_space<hbm>>
        tpu.enqueue_dma source(%dma_start3A_375 : memref<64xf32, #tpu.memory_space<hbm>>) target(%dma_start3A_372 : memref<64xf32, #tpu.memory_space<vmem>>) target_semaphore(%arg18 : memref<!tpu.dma_semaphore, #tpu.memory_space<semaphore_mem>>)
        %slice3A_376 = vector.extract_strided_slice %mul3A_51 {offsets = [4], sizes = [1], strides = [1]} : vector<16xi32> to vector<1xi32>
        %squeeze3A_377 = vector.extract %slice3A_376[0] : i32 from vector<1xi32>
        %add3A_378 = arith.constant 0 : i32
        %add3A_379 = arith.addi %squeeze3A_377, %add3A_378 : i32
        %get3A_380 = arith.index_cast %add3A_379 : i32 to index
        %get3A_381 = tpu.vector_load %arg16[%get3A_380] {strides = array<i32>} : memref<64000xf32, #tpu.memory_space<vmem>>, vector<16xf32>,
        %get3A_382 = vector.shape_cast %get3A_381 : vector<16xf32> to vector<16xf32>
        %swap3A_383 = arith.index_cast %add3A_347 : i32 to index
        %swap3A_384 = arith.constant 0 : index
        %swap3A_385 = tpu.vector_load %arg15[%swap3A_383, %swap3A_384] {strides = array<i32>} : memref<128x64xf32, #tpu.memory_space<vmem>>, vector<1x16xf32>,
        %swap3A_386 = vector.shape_cast %swap3A_385 : vector<1x16xf32> to vector<16xf32>
        %swap3A_387 = vector.shape_cast %get3A_382 : vector<16xf32> to vector<1x16xf32>
        tpu.vector_store %arg15[%swap3A_383, %swap3A_384], %swap3A_387 {strides = array<i32>} : memref<128x64xf32, #tpu.memory_space<vmem>>, vector<1x16xf32>,
        %add3A_388 = arith.constant 16 : i32
        %add3A_389 = arith.addi %squeeze3A_377, %add3A_388 : i32
        %get3A_390 = arith.index_cast %add3A_389 : i32 to index
        %get3A_391 = tpu.vector_load %arg16[%get3A_390] {strides = array<i32>} : memref<64000xf32, #tpu.memory_space<vmem>>, vector<16xf32>,
        %get3A_392 = vector.shape_cast %get3A_391 : vector<16xf32> to vector<16xf32>
        %swap3A_393 = arith.index_cast %add3A_347 : i32 to index
        %swap3A_394 = arith.constant 16 : index
        %swap3A_395 = tpu.vector_load %arg15[%swap3A_393, %swap3A_394] {strides = array<i32>} : memref<128x64xf32, #tpu.memory_space<vmem>>, vector<1x16xf32>,
        %swap3A_396 = vector.shape_cast %swap3A_395 : vector<1x16xf32> to vector<16xf32>
        %swap3A_397 = vector.shape_cast %get3A_392 : vector<16xf32> to vector<1x16xf32>
        tpu.vector_store %arg15[%swap3A_393, %swap3A_394], %swap3A_397 {strides = array<i32>} : memref<128x64xf32, #tpu.memory_space<vmem>>, vector<1x16xf32>,
        %add3A_398 = arith.constant 32 : i32
        %add3A_399 = arith.addi %squeeze3A_377, %add3A_398 : i32
        %get3A_400 = arith.index_cast %add3A_399 : i32 to index
        %get3A_401 = tpu.vector_load %arg16[%get3A_400] {strides = array<i32>} : memref<64000xf32, #tpu.memory_space<vmem>>, vector<16xf32>,
        %get3A_402 = vector.shape_cast %get3A_401 : vector<16xf32> to vector<16xf32>
        %swap3A_403 = arith.index_cast %add3A_347 : i32 to index
        %swap3A_404 = arith.constant 32 : index
        %swap3A_405 = tpu.vector_load %arg15[%swap3A_403, %swap3A_404] {strides = array<i32>} : memref<128x64xf32, #tpu.memory_space<vmem>>, vector<1x16xf32>,
        %swap3A_406 = vector.shape_cast %swap3A_405 : vector<1x16xf32> to vector<16xf32>
        %swap3A_407 = vector.shape_cast %get3A_402 : vector<16xf32> to vector<1x16xf32>
        tpu.vector_store %arg15[%swap3A_403, %swap3A_404], %swap3A_407 {strides = array<i32>} : memref<128x64xf32, #tpu.memory_space<vmem>>, vector<1x16xf32>,
        %add3A_408 = arith.constant 48 : i32
        %add3A_409 = arith.addi %squeeze3A_377, %add3A_408 : i32
        %get3A_410 = arith.index_cast %add3A_409 : i32 to index
        %get3A_411 = tpu.vector_load %arg16[%get3A_410] {strides = array<i32>} : memref<64000xf32, #tpu.memory_space<vmem>>, vector<16xf32>,
        %get3A_412 = vector.shape_cast %get3A_411 : vector<16xf32> to vector<16xf32>
        %swap3A_413 = arith.index_cast %add3A_347 : i32 to index
        %swap3A_414 = arith.constant 48 : index
        %swap3A_415 = tpu.vector_load %arg15[%swap3A_413, %swap3A_414] {strides = array<i32>} : memref<128x64xf32, #tpu.memory_space<vmem>>, vector<1x16xf32>,
        %swap3A_416 = vector.shape_cast %swap3A_415 : vector<1x16xf32> to vector<16xf32>
        %swap3A_417 = vector.shape_cast %get3A_412 : vector<16xf32> to vector<1x16xf32>
        tpu.vector_store %arg15[%swap3A_413, %swap3A_414], %swap3A_417 {strides = array<i32>} : memref<128x64xf32, #tpu.memory_space<vmem>>, vector<1x16xf32>,
        %mul3A_418 = arith.constant 16 : i32
        %mul3A_419 = arith.muli %add3A_37, %mul3A_418 : i32
        %add3A_420 = arith.constant 5 : i32
        %add3A_421 = arith.addi %mul3A_419, %add3A_420 : i32
        %slice3A_422 = vector.extract_strided_slice %get3A_42 {offsets = [5], sizes = [1], strides = [1]} : vector<16xi32> to vector<1xi32>
        %squeeze3A_423 = vector.extract %slice3A_422[0] : i32 from vector<1xi32>
        %dma_start3A_424 = arith.constant 0 : i32
        %dma_start3A_425 = tpu.memref_slice %arg13[%add3A_421, %dma_start3A_424] : memref<128x64xf32, #tpu.memory_space<vmem>> -> memref<1x64xf32, #tpu.memory_space<vmem>>
        %dma_start3A_426 = tpu.memref_squeeze %dma_start3A_425 : memref<1x64xf32, #tpu.memory_space<vmem>> -> memref<64xf32, #tpu.memory_space<vmem>>
        %dma_start3A_427 = arith.constant 0 : i32
        %dma_start3A_428 = tpu.memref_slice %arg2[%squeeze3A_423, %dma_start3A_427] : memref<1000000x64xf32, #tpu.memory_space<hbm>> -> memref<1x64xf32, #tpu.memory_space<hbm>>
        %dma_start3A_429 = tpu.memref_squeeze %dma_start3A_428 : memref<1x64xf32, #tpu.memory_space<hbm>> -> memref<64xf32, #tpu.memory_space<hbm>>
        %dma_start3A_430 = arith.constant 0 : i32
        %dma_start3A_431 = tpu.memref_slice %arg13[%add3A_421, %dma_start3A_430] : memref<128x64xf32, #tpu.memory_space<vmem>> -> memref<1x64xf32, #tpu.memory_space<vmem>>
        %dma_start3A_432 = tpu.memref_squeeze %dma_start3A_431 : memref<1x64xf32, #tpu.memory_space<vmem>> -> memref<64xf32, #tpu.memory_space<vmem>>
        %dma_start3A_433 = arith.constant 0 : i32
        %dma_start3A_434 = tpu.memref_slice %arg2[%squeeze3A_423, %dma_start3A_433] : memref<1000000x64xf32, #tpu.memory_space<hbm>> -> memref<1x64xf32, #tpu.memory_space<hbm>>
        %dma_start3A_435 = tpu.memref_squeeze %dma_start3A_434 : memref<1x64xf32, #tpu.memory_space<hbm>> -> memref<64xf32, #tpu.memory_space<hbm>>
        tpu.enqueue_dma source(%dma_start3A_435 : memref<64xf32, #tpu.memory_space<hbm>>) target(%dma_start3A_432 : memref<64xf32, #tpu.memory_space<vmem>>) target_semaphore(%arg17 : memref<!tpu.dma_semaphore, #tpu.memory_space<semaphore_mem>>)
        %slice3A_436 = vector.extract_strided_slice %get3A_45 {offsets = [5], sizes = [1], strides = [1]} : vector<16xi32> to vector<1xi32>
        %squeeze3A_437 = vector.extract %slice3A_436[0] : i32 from vector<1xi32>
        %dma_start3A_438 = arith.constant 0 : i32
        %dma_start3A_439 = tpu.memref_slice %arg14[%add3A_421, %dma_start3A_438] : memref<128x64xf32, #tpu.memory_space<vmem>> -> memref<1x64xf32, #tpu.memory_space<vmem>>
        %dma_start3A_440 = tpu.memref_squeeze %dma_start3A_439 : memref<1x64xf32, #tpu.memory_space<vmem>> -> memref<64xf32, #tpu.memory_space<vmem>>
        %dma_start3A_441 = arith.constant 0 : i32
        %dma_start3A_442 = tpu.memref_slice %arg2[%squeeze3A_437, %dma_start3A_441] : memref<1000000x64xf32, #tpu.memory_space<hbm>> -> memref<1x64xf32, #tpu.memory_space<hbm>>
        %dma_start3A_443 = tpu.memref_squeeze %dma_start3A_442 : memref<1x64xf32, #tpu.memory_space<hbm>> -> memref<64xf32, #tpu.memory_space<hbm>>
        %dma_start3A_444 = arith.constant 0 : i32
        %dma_start3A_445 = tpu.memref_slice %arg14[%add3A_421, %dma_start3A_444] : memref<128x64xf32, #tpu.memory_space<vmem>> -> memref<1x64xf32, #tpu.memory_space<vmem>>
        %dma_start3A_446 = tpu.memref_squeeze %dma_start3A_445 : memref<1x64xf32, #tpu.memory_space<vmem>> -> memref<64xf32, #tpu.memory_space<vmem>>
        %dma_start3A_447 = arith.constant 0 : i32
        %dma_start3A_448 = tpu.memref_slice %arg2[%squeeze3A_437, %dma_start3A_447] : memref<1000000x64xf32, #tpu.memory_space<hbm>> -> memref<1x64xf32, #tpu.memory_space<hbm>>
        %dma_start3A_449 = tpu.memref_squeeze %dma_start3A_448 : memref<1x64xf32, #tpu.memory_space<hbm>> -> memref<64xf32, #tpu.memory_space<hbm>>
        tpu.enqueue_dma source(%dma_start3A_449 : memref<64xf32, #tpu.memory_space<hbm>>) target(%dma_start3A_446 : memref<64xf32, #tpu.memory_space<vmem>>) target_semaphore(%arg18 : memref<!tpu.dma_semaphore, #tpu.memory_space<semaphore_mem>>)
        %slice3A_450 = vector.extract_strided_slice %mul3A_51 {offsets = [5], sizes = [1], strides = [1]} : vector<16xi32> to vector<1xi32>
        %squeeze3A_451 = vector.extract %slice3A_450[0] : i32 from vector<1xi32>
        %add3A_452 = arith.constant 0 : i32
        %add3A_453 = arith.addi %squeeze3A_451, %add3A_452 : i32
        %get3A_454 = arith.index_cast %add3A_453 : i32 to index
        %get3A_455 = tpu.vector_load %arg16[%get3A_454] {strides = array<i32>} : memref<64000xf32, #tpu.memory_space<vmem>>, vector<16xf32>,
        %get3A_456 = vector.shape_cast %get3A_455 : vector<16xf32> to vector<16xf32>
        %swap3A_457 = arith.index_cast %add3A_421 : i32 to index
        %swap3A_458 = arith.constant 0 : index
        %swap3A_459 = tpu.vector_load %arg15[%swap3A_457, %swap3A_458] {strides = array<i32>} : memref<128x64xf32, #tpu.memory_space<vmem>>, vector<1x16xf32>,
        %swap3A_460 = vector.shape_cast %swap3A_459 : vector<1x16xf32> to vector<16xf32>
        %swap3A_461 = vector.shape_cast %get3A_456 : vector<16xf32> to vector<1x16xf32>
        tpu.vector_store %arg15[%swap3A_457, %swap3A_458], %swap3A_461 {strides = array<i32>} : memref<128x64xf32, #tpu.memory_space<vmem>>, vector<1x16xf32>,
        %add3A_462 = arith.constant 16 : i32
        %add3A_463 = arith.addi %squeeze3A_451, %add3A_462 : i32
        %get3A_464 = arith.index_cast %add3A_463 : i32 to index
        %get3A_465 = tpu.vector_load %arg16[%get3A_464] {strides = array<i32>} : memref<64000xf32, #tpu.memory_space<vmem>>, vector<16xf32>,
        %get3A_466 = vector.shape_cast %get3A_465 : vector<16xf32> to vector<16xf32>
        %swap3A_467 = arith.index_cast %add3A_421 : i32 to index
        %swap3A_468 = arith.constant 16 : index
        %swap3A_469 = tpu.vector_load %arg15[%swap3A_467, %swap3A_468] {strides = array<i32>} : memref<128x64xf32, #tpu.memory_space<vmem>>, vector<1x16xf32>,
        %swap3A_470 = vector.shape_cast %swap3A_469 : vector<1x16xf32> to vector<16xf32>
        %swap3A_471 = vector.shape_cast %get3A_466 : vector<16xf32> to vector<1x16xf32>
        tpu.vector_store %arg15[%swap3A_467, %swap3A_468], %swap3A_471 {strides = array<i32>} : memref<128x64xf32, #tpu.memory_space<vmem>>, vector<1x16xf32>,
        %add3A_472 = arith.constant 32 : i32
        %add3A_473 = arith.addi %squeeze3A_451, %add3A_472 : i32
        %get3A_474 = arith.index_cast %add3A_473 : i32 to index
        %get3A_475 = tpu.vector_load %arg16[%get3A_474] {strides = array<i32>} : memref<64000xf32, #tpu.memory_space<vmem>>, vector<16xf32>,
        %get3A_476 = vector.shape_cast %get3A_475 : vector<16xf32> to vector<16xf32>
        %swap3A_477 = arith.index_cast %add3A_421 : i32 to index
        %swap3A_478 = arith.constant 32 : index
        %swap3A_479 = tpu.vector_load %arg15[%swap3A_477, %swap3A_478] {strides = array<i32>} : memref<128x64xf32, #tpu.memory_space<vmem>>, vector<1x16xf32>,
        %swap3A_480 = vector.shape_cast %swap3A_479 : vector<1x16xf32> to vector<16xf32>
        %swap3A_481 = vector.shape_cast %get3A_476 : vector<16xf32> to vector<1x16xf32>
        tpu.vector_store %arg15[%swap3A_477, %swap3A_478], %swap3A_481 {strides = array<i32>} : memref<128x64xf32, #tpu.memory_space<vmem>>, vector<1x16xf32>,
        %add3A_482 = arith.constant 48 : i32
        %add3A_483 = arith.addi %squeeze3A_451, %add3A_482 : i32
        %get3A_484 = arith.index_cast %add3A_483 : i32 to index
        %get3A_485 = tpu.vector_load %arg16[%get3A_484] {strides = array<i32>} : memref<64000xf32, #tpu.memory_space<vmem>>, vector<16xf32>,
        %get3A_486 = vector.shape_cast %get3A_485 : vector<16xf32> to vector<16xf32>
        %swap3A_487 = arith.index_cast %add3A_421 : i32 to index
        %swap3A_488 = arith.constant 48 : index
        %swap3A_489 = tpu.vector_load %arg15[%swap3A_487, %swap3A_488] {strides = array<i32>} : memref<128x64xf32, #tpu.memory_space<vmem>>, vector<1x16xf32>,
        %swap3A_490 = vector.shape_cast %swap3A_489 : vector<1x16xf32> to vector<16xf32>
        %swap3A_491 = vector.shape_cast %get3A_486 : vector<16xf32> to vector<1x16xf32>
        tpu.vector_store %arg15[%swap3A_487, %swap3A_488], %swap3A_491 {strides = array<i32>} : memref<128x64xf32, #tpu.memory_space<vmem>>, vector<1x16xf32>,
        %mul3A_492 = arith.constant 16 : i32
        %mul3A_493 = arith.muli %add3A_37, %mul3A_492 : i32
        %add3A_494 = arith.constant 6 : i32
        %add3A_495 = arith.addi %mul3A_493, %add3A_494 : i32
        %slice3A_496 = vector.extract_strided_slice %get3A_42 {offsets = [6], sizes = [1], strides = [1]} : vector<16xi32> to vector<1xi32>
        %squeeze3A_497 = vector.extract %slice3A_496[0] : i32 from vector<1xi32>
        %dma_start3A_498 = arith.constant 0 : i32
        %dma_start3A_499 = tpu.memref_slice %arg13[%add3A_495, %dma_start3A_498] : memref<128x64xf32, #tpu.memory_space<vmem>> -> memref<1x64xf32, #tpu.memory_space<vmem>>
        %dma_start3A_500 = tpu.memref_squeeze %dma_start3A_499 : memref<1x64xf32, #tpu.memory_space<vmem>> -> memref<64xf32, #tpu.memory_space<vmem>>
        %dma_start3A_501 = arith.constant 0 : i32
        %dma_start3A_502 = tpu.memref_slice %arg2[%squeeze3A_497, %dma_start3A_501] : memref<1000000x64xf32, #tpu.memory_space<hbm>> -> memref<1x64xf32, #tpu.memory_space<hbm>>
        %dma_start3A_503 = tpu.memref_squeeze %dma_start3A_502 : memref<1x64xf32, #tpu.memory_space<hbm>> -> memref<64xf32, #tpu.memory_space<hbm>>
        %dma_start3A_504 = arith.constant 0 : i32
        %dma_start3A_505 = tpu.memref_slice %arg13[%add3A_495, %dma_start3A_504] : memref<128x64xf32, #tpu.memory_space<vmem>> -> memref<1x64xf32, #tpu.memory_space<vmem>>
        %dma_start3A_506 = tpu.memref_squeeze %dma_start3A_505 : memref<1x64xf32, #tpu.memory_space<vmem>> -> memref<64xf32, #tpu.memory_space<vmem>>
        %dma_start3A_507 = arith.constant 0 : i32
        %dma_start3A_508 = tpu.memref_slice %arg2[%squeeze3A_497, %dma_start3A_507] : memref<1000000x64xf32, #tpu.memory_space<hbm>> -> memref<1x64xf32, #tpu.memory_space<hbm>>
        %dma_start3A_509 = tpu.memref_squeeze %dma_start3A_508 : memref<1x64xf32, #tpu.memory_space<hbm>> -> memref<64xf32, #tpu.memory_space<hbm>>
        tpu.enqueue_dma source(%dma_start3A_509 : memref<64xf32, #tpu.memory_space<hbm>>) target(%dma_start3A_506 : memref<64xf32, #tpu.memory_space<vmem>>) target_semaphore(%arg17 : memref<!tpu.dma_semaphore, #tpu.memory_space<semaphore_mem>>)
        %slice3A_510 = vector.extract_strided_slice %get3A_45 {offsets = [6], sizes = [1], strides = [1]} : vector<16xi32> to vector<1xi32>
        %squeeze3A_511 = vector.extract %slice3A_510[0] : i32 from vector<1xi32>
        %dma_start3A_512 = arith.constant 0 : i32
        %dma_start3A_513 = tpu.memref_slice %arg14[%add3A_495, %dma_start3A_512] : memref<128x64xf32, #tpu.memory_space<vmem>> -> memref<1x64xf32, #tpu.memory_space<vmem>>
        %dma_start3A_514 = tpu.memref_squeeze %dma_start3A_513 : memref<1x64xf32, #tpu.memory_space<vmem>> -> memref<64xf32, #tpu.memory_space<vmem>>
        %dma_start3A_515 = arith.constant 0 : i32
        %dma_start3A_516 = tpu.memref_slice %arg2[%squeeze3A_511, %dma_start3A_515] : memref<1000000x64xf32, #tpu.memory_space<hbm>> -> memref<1x64xf32, #tpu.memory_space<hbm>>
        %dma_start3A_517 = tpu.memref_squeeze %dma_start3A_516 : memref<1x64xf32, #tpu.memory_space<hbm>> -> memref<64xf32, #tpu.memory_space<hbm>>
        %dma_start3A_518 = arith.constant 0 : i32
        %dma_start3A_519 = tpu.memref_slice %arg14[%add3A_495, %dma_start3A_518] : memref<128x64xf32, #tpu.memory_space<vmem>> -> memref<1x64xf32, #tpu.memory_space<vmem>>
        %dma_start3A_520 = tpu.memref_squeeze %dma_start3A_519 : memref<1x64xf32, #tpu.memory_space<vmem>> -> memref<64xf32, #tpu.memory_space<vmem>>
        %dma_start3A_521 = arith.constant 0 : i32
        %dma_start3A_522 = tpu.memref_slice %arg2[%squeeze3A_511, %dma_start3A_521] : memref<1000000x64xf32, #tpu.memory_space<hbm>> -> memref<1x64xf32, #tpu.memory_space<hbm>>
        %dma_start3A_523 = tpu.memref_squeeze %dma_start3A_522 : memref<1x64xf32, #tpu.memory_space<hbm>> -> memref<64xf32, #tpu.memory_space<hbm>>
        tpu.enqueue_dma source(%dma_start3A_523 : memref<64xf32, #tpu.memory_space<hbm>>) target(%dma_start3A_520 : memref<64xf32, #tpu.memory_space<vmem>>) target_semaphore(%arg18 : memref<!tpu.dma_semaphore, #tpu.memory_space<semaphore_mem>>)
        %slice3A_524 = vector.extract_strided_slice %mul3A_51 {offsets = [6], sizes = [1], strides = [1]} : vector<16xi32> to vector<1xi32>
        %squeeze3A_525 = vector.extract %slice3A_524[0] : i32 from vector<1xi32>
        %add3A_526 = arith.constant 0 : i32
        %add3A_527 = arith.addi %squeeze3A_525, %add3A_526 : i32
        %get3A_528 = arith.index_cast %add3A_527 : i32 to index
        %get3A_529 = tpu.vector_load %arg16[%get3A_528] {strides = array<i32>} : memref<64000xf32, #tpu.memory_space<vmem>>, vector<16xf32>,
        %get3A_530 = vector.shape_cast %get3A_529 : vector<16xf32> to vector<16xf32>
        %swap3A_531 = arith.index_cast %add3A_495 : i32 to index
        %swap3A_532 = arith.constant 0 : index
        %swap3A_533 = tpu.vector_load %arg15[%swap3A_531, %swap3A_532] {strides = array<i32>} : memref<128x64xf32, #tpu.memory_space<vmem>>, vector<1x16xf32>,
        %swap3A_534 = vector.shape_cast %swap3A_533 : vector<1x16xf32> to vector<16xf32>
        %swap3A_535 = vector.shape_cast %get3A_530 : vector<16xf32> to vector<1x16xf32>
        tpu.vector_store %arg15[%swap3A_531, %swap3A_532], %swap3A_535 {strides = array<i32>} : memref<128x64xf32, #tpu.memory_space<vmem>>, vector<1x16xf32>,
        %add3A_536 = arith.constant 16 : i32
        %add3A_537 = arith.addi %squeeze3A_525, %add3A_536 : i32
        %get3A_538 = arith.index_cast %add3A_537 : i32 to index
        %get3A_539 = tpu.vector_load %arg16[%get3A_538] {strides = array<i32>} : memref<64000xf32, #tpu.memory_space<vmem>>, vector<16xf32>,
        %get3A_540 = vector.shape_cast %get3A_539 : vector<16xf32> to vector<16xf32>
        %swap3A_541 = arith.index_cast %add3A_495 : i32 to index
        %swap3A_542 = arith.constant 16 : index
        %swap3A_543 = tpu.vector_load %arg15[%swap3A_541, %swap3A_542] {strides = array<i32>} : memref<128x64xf32, #tpu.memory_space<vmem>>, vector<1x16xf32>,
        %swap3A_544 = vector.shape_cast %swap3A_543 : vector<1x16xf32> to vector<16xf32>
        %swap3A_545 = vector.shape_cast %get3A_540 : vector<16xf32> to vector<1x16xf32>
        tpu.vector_store %arg15[%swap3A_541, %swap3A_542], %swap3A_545 {strides = array<i32>} : memref<128x64xf32, #tpu.memory_space<vmem>>, vector<1x16xf32>,
        %add3A_546 = arith.constant 32 : i32
        %add3A_547 = arith.addi %squeeze3A_525, %add3A_546 : i32
        %get3A_548 = arith.index_cast %add3A_547 : i32 to index
        %get3A_549 = tpu.vector_load %arg16[%get3A_548] {strides = array<i32>} : memref<64000xf32, #tpu.memory_space<vmem>>, vector<16xf32>,
        %get3A_550 = vector.shape_cast %get3A_549 : vector<16xf32> to vector<16xf32>
        %swap3A_551 = arith.index_cast %add3A_495 : i32 to index
        %swap3A_552 = arith.constant 32 : index
        %swap3A_553 = tpu.vector_load %arg15[%swap3A_551, %swap3A_552] {strides = array<i32>} : memref<128x64xf32, #tpu.memory_space<vmem>>, vector<1x16xf32>,
        %swap3A_554 = vector.shape_cast %swap3A_553 : vector<1x16xf32> to vector<16xf32>
        %swap3A_555 = vector.shape_cast %get3A_550 : vector<16xf32> to vector<1x16xf32>
        tpu.vector_store %arg15[%swap3A_551, %swap3A_552], %swap3A_555 {strides = array<i32>} : memref<128x64xf32, #tpu.memory_space<vmem>>, vector<1x16xf32>,
        %add3A_556 = arith.constant 48 : i32
        %add3A_557 = arith.addi %squeeze3A_525, %add3A_556 : i32
        %get3A_558 = arith.index_cast %add3A_557 : i32 to index
        %get3A_559 = tpu.vector_load %arg16[%get3A_558] {strides = array<i32>} : memref<64000xf32, #tpu.memory_space<vmem>>, vector<16xf32>,
        %get3A_560 = vector.shape_cast %get3A_559 : vector<16xf32> to vector<16xf32>
        %swap3A_561 = arith.index_cast %add3A_495 : i32 to index
        %swap3A_562 = arith.constant 48 : index
        %swap3A_563 = tpu.vector_load %arg15[%swap3A_561, %swap3A_562] {strides = array<i32>} : memref<128x64xf32, #tpu.memory_space<vmem>>, vector<1x16xf32>,
        %swap3A_564 = vector.shape_cast %swap3A_563 : vector<1x16xf32> to vector<16xf32>
        %swap3A_565 = vector.shape_cast %get3A_560 : vector<16xf32> to vector<1x16xf32>
        tpu.vector_store %arg15[%swap3A_561, %swap3A_562], %swap3A_565 {strides = array<i32>} : memref<128x64xf32, #tpu.memory_space<vmem>>, vector<1x16xf32>,
        %mul3A_566 = arith.constant 16 : i32
        %mul3A_567 = arith.muli %add3A_37, %mul3A_566 : i32
        %add3A_568 = arith.constant 7 : i32
        %add3A_569 = arith.addi %mul3A_567, %add3A_568 : i32
        %slice3A_570 = vector.extract_strided_slice %get3A_42 {offsets = [7], sizes = [1], strides = [1]} : vector<16xi32> to vector<1xi32>
        %squeeze3A_571 = vector.extract %slice3A_570[0] : i32 from vector<1xi32>
        %dma_start3A_572 = arith.constant 0 : i32
        %dma_start3A_573 = tpu.memref_slice %arg13[%add3A_569, %dma_start3A_572] : memref<128x64xf32, #tpu.memory_space<vmem>> -> memref<1x64xf32, #tpu.memory_space<vmem>>
        %dma_start3A_574 = tpu.memref_squeeze %dma_start3A_573 : memref<1x64xf32, #tpu.memory_space<vmem>> -> memref<64xf32, #tpu.memory_space<vmem>>
        %dma_start3A_575 = arith.constant 0 : i32
        %dma_start3A_576 = tpu.memref_slice %arg2[%squeeze3A_571, %dma_start3A_575] : memref<1000000x64xf32, #tpu.memory_space<hbm>> -> memref<1x64xf32, #tpu.memory_space<hbm>>
        %dma_start3A_577 = tpu.memref_squeeze %dma_start3A_576 : memref<1x64xf32, #tpu.memory_space<hbm>> -> memref<64xf32, #tpu.memory_space<hbm>>
        %dma_start3A_578 = arith.constant 0 : i32
        %dma_start3A_579 = tpu.memref_slice %arg13[%add3A_569, %dma_start3A_578] : memref<128x64xf32, #tpu.memory_space<vmem>> -> memref<1x64xf32, #tpu.memory_space<vmem>>
        %dma_start3A_580 = tpu.memref_squeeze %dma_start3A_579 : memref<1x64xf32, #tpu.memory_space<vmem>> -> memref<64xf32, #tpu.memory_space<vmem>>
        %dma_start3A_581 = arith.constant 0 : i32
        %dma_start3A_582 = tpu.memref_slice %arg2[%squeeze3A_571, %dma_start3A_581] : memref<1000000x64xf32, #tpu.memory_space<hbm>> -> memref<1x64xf32, #tpu.memory_space<hbm>>
        %dma_start3A_583 = tpu.memref_squeeze %dma_start3A_582 : memref<1x64xf32, #tpu.memory_space<hbm>> -> memref<64xf32, #tpu.memory_space<hbm>>
        tpu.enqueue_dma source(%dma_start3A_583 : memref<64xf32, #tpu.memory_space<hbm>>) target(%dma_start3A_580 : memref<64xf32, #tpu.memory_space<vmem>>) target_semaphore(%arg17 : memref<!tpu.dma_semaphore, #tpu.memory_space<semaphore_mem>>)
        %slice3A_584 = vector.extract_strided_slice %get3A_45 {offsets = [7], sizes = [1], strides = [1]} : vector<16xi32> to vector<1xi32>
        %squeeze3A_585 = vector.extract %slice3A_584[0] : i32 from vector<1xi32>
        %dma_start3A_586 = arith.constant 0 : i32
        %dma_start3A_587 = tpu.memref_slice %arg14[%add3A_569, %dma_start3A_586] : memref<128x64xf32, #tpu.memory_space<vmem>> -> memref<1x64xf32, #tpu.memory_space<vmem>>
        %dma_start3A_588 = tpu.memref_squeeze %dma_start3A_587 : memref<1x64xf32, #tpu.memory_space<vmem>> -> memref<64xf32, #tpu.memory_space<vmem>>
        %dma_start3A_589 = arith.constant 0 : i32
        %dma_start3A_590 = tpu.memref_slice %arg2[%squeeze3A_585, %dma_start3A_589] : memref<1000000x64xf32, #tpu.memory_space<hbm>> -> memref<1x64xf32, #tpu.memory_space<hbm>>
        %dma_start3A_591 = tpu.memref_squeeze %dma_start3A_590 : memref<1x64xf32, #tpu.memory_space<hbm>> -> memref<64xf32, #tpu.memory_space<hbm>>
        %dma_start3A_592 = arith.constant 0 : i32
        %dma_start3A_593 = tpu.memref_slice %arg14[%add3A_569, %dma_start3A_592] : memref<128x64xf32, #tpu.memory_space<vmem>> -> memref<1x64xf32, #tpu.memory_space<vmem>>
        %dma_start3A_594 = tpu.memref_squeeze %dma_start3A_593 : memref<1x64xf32, #tpu.memory_space<vmem>> -> memref<64xf32, #tpu.memory_space<vmem>>
        %dma_start3A_595 = arith.constant 0 : i32
        %dma_start3A_596 = tpu.memref_slice %arg2[%squeeze3A_585, %dma_start3A_595] : memref<1000000x64xf32, #tpu.memory_space<hbm>> -> memref<1x64xf32, #tpu.memory_space<hbm>>
        %dma_start3A_597 = tpu.memref_squeeze %dma_start3A_596 : memref<1x64xf32, #tpu.memory_space<hbm>> -> memref<64xf32, #tpu.memory_space<hbm>>
        tpu.enqueue_dma source(%dma_start3A_597 : memref<64xf32, #tpu.memory_space<hbm>>) target(%dma_start3A_594 : memref<64xf32, #tpu.memory_space<vmem>>) target_semaphore(%arg18 : memref<!tpu.dma_semaphore, #tpu.memory_space<semaphore_mem>>)
        %slice3A_598 = vector.extract_strided_slice %mul3A_51 {offsets = [7], sizes = [1], strides = [1]} : vector<16xi32> to vector<1xi32>
        %squeeze3A_599 = vector.extract %slice3A_598[0] : i32 from vector<1xi32>
        %add3A_600 = arith.constant 0 : i32
        %add3A_601 = arith.addi %squeeze3A_599, %add3A_600 : i32
        %get3A_602 = arith.index_cast %add3A_601 : i32 to index
        %get3A_603 = tpu.vector_load %arg16[%get3A_602] {strides = array<i32>} : memref<64000xf32, #tpu.memory_space<vmem>>, vector<16xf32>,
        %get3A_604 = vector.shape_cast %get3A_603 : vector<16xf32> to vector<16xf32>
        %swap3A_605 = arith.index_cast %add3A_569 : i32 to index
        %swap3A_606 = arith.constant 0 : index
        %swap3A_607 = tpu.vector_load %arg15[%swap3A_605, %swap3A_606] {strides = array<i32>} : memref<128x64xf32, #tpu.memory_space<vmem>>, vector<1x16xf32>,
        %swap3A_608 = vector.shape_cast %swap3A_607 : vector<1x16xf32> to vector<16xf32>
        %swap3A_609 = vector.shape_cast %get3A_604 : vector<16xf32> to vector<1x16xf32>
        tpu.vector_store %arg15[%swap3A_605, %swap3A_606], %swap3A_609 {strides = array<i32>} : memref<128x64xf32, #tpu.memory_space<vmem>>, vector<1x16xf32>,
        %add3A_610 = arith.constant 16 : i32
        %add3A_611 = arith.addi %squeeze3A_599, %add3A_610 : i32
        %get3A_612 = arith.index_cast %add3A_611 : i32 to index
        %get3A_613 = tpu.vector_load %arg16[%get3A_612] {strides = array<i32>} : memref<64000xf32, #tpu.memory_space<vmem>>, vector<16xf32>,
        %get3A_614 = vector.shape_cast %get3A_613 : vector<16xf32> to vector<16xf32>
        %swap3A_615 = arith.index_cast %add3A_569 : i32 to index
        %swap3A_616 = arith.constant 16 : index
        %swap3A_617 = tpu.vector_load %arg15[%swap3A_615, %swap3A_616] {strides = array<i32>} : memref<128x64xf32, #tpu.memory_space<vmem>>, vector<1x16xf32>,
        %swap3A_618 = vector.shape_cast %swap3A_617 : vector<1x16xf32> to vector<16xf32>
        %swap3A_619 = vector.shape_cast %get3A_614 : vector<16xf32> to vector<1x16xf32>
        tpu.vector_store %arg15[%swap3A_615, %swap3A_616], %swap3A_619 {strides = array<i32>} : memref<128x64xf32, #tpu.memory_space<vmem>>, vector<1x16xf32>,
        %add3A_620 = arith.constant 32 : i32
        %add3A_621 = arith.addi %squeeze3A_599, %add3A_620 : i32
        %get3A_622 = arith.index_cast %add3A_621 : i32 to index
        %get3A_623 = tpu.vector_load %arg16[%get3A_622] {strides = array<i32>} : memref<64000xf32, #tpu.memory_space<vmem>>, vector<16xf32>,
        %get3A_624 = vector.shape_cast %get3A_623 : vector<16xf32> to vector<16xf32>
        %swap3A_625 = arith.index_cast %add3A_569 : i32 to index
        %swap3A_626 = arith.constant 32 : index
        %swap3A_627 = tpu.vector_load %arg15[%swap3A_625, %swap3A_626] {strides = array<i32>} : memref<128x64xf32, #tpu.memory_space<vmem>>, vector<1x16xf32>,
        %swap3A_628 = vector.shape_cast %swap3A_627 : vector<1x16xf32> to vector<16xf32>
        %swap3A_629 = vector.shape_cast %get3A_624 : vector<16xf32> to vector<1x16xf32>
        tpu.vector_store %arg15[%swap3A_625, %swap3A_626], %swap3A_629 {strides = array<i32>} : memref<128x64xf32, #tpu.memory_space<vmem>>, vector<1x16xf32>,
        %add3A_630 = arith.constant 48 : i32
        %add3A_631 = arith.addi %squeeze3A_599, %add3A_630 : i32
        %get3A_632 = arith.index_cast %add3A_631 : i32 to index
        %get3A_633 = tpu.vector_load %arg16[%get3A_632] {strides = array<i32>} : memref<64000xf32, #tpu.memory_space<vmem>>, vector<16xf32>,
        %get3A_634 = vector.shape_cast %get3A_633 : vector<16xf32> to vector<16xf32>
        %swap3A_635 = arith.index_cast %add3A_569 : i32 to index
        %swap3A_636 = arith.constant 48 : index
        %swap3A_637 = tpu.vector_load %arg15[%swap3A_635, %swap3A_636] {strides = array<i32>} : memref<128x64xf32, #tpu.memory_space<vmem>>, vector<1x16xf32>,
        %swap3A_638 = vector.shape_cast %swap3A_637 : vector<1x16xf32> to vector<16xf32>
        %swap3A_639 = vector.shape_cast %get3A_634 : vector<16xf32> to vector<1x16xf32>
        tpu.vector_store %arg15[%swap3A_635, %swap3A_636], %swap3A_639 {strides = array<i32>} : memref<128x64xf32, #tpu.memory_space<vmem>>, vector<1x16xf32>,
        %mul3A_640 = arith.constant 16 : i32
        %mul3A_641 = arith.muli %add3A_37, %mul3A_640 : i32
        %add3A_642 = arith.constant 8 : i32
        %add3A_643 = arith.addi %mul3A_641, %add3A_642 : i32
        %slice3A_644 = vector.extract_strided_slice %get3A_42 {offsets = [8], sizes = [1], strides = [1]} : vector<16xi32> to vector<1xi32>
        %squeeze3A_645 = vector.extract %slice3A_644[0] : i32 from vector<1xi32>
        %dma_start3A_646 = arith.constant 0 : i32
        %dma_start3A_647 = tpu.memref_slice %arg13[%add3A_643, %dma_start3A_646] : memref<128x64xf32, #tpu.memory_space<vmem>> -> memref<1x64xf32, #tpu.memory_space<vmem>>
        %dma_start3A_648 = tpu.memref_squeeze %dma_start3A_647 : memref<1x64xf32, #tpu.memory_space<vmem>> -> memref<64xf32, #tpu.memory_space<vmem>>
        %dma_start3A_649 = arith.constant 0 : i32
        %dma_start3A_650 = tpu.memref_slice %arg2[%squeeze3A_645, %dma_start3A_649] : memref<1000000x64xf32, #tpu.memory_space<hbm>> -> memref<1x64xf32, #tpu.memory_space<hbm>>
        %dma_start3A_651 = tpu.memref_squeeze %dma_start3A_650 : memref<1x64xf32, #tpu.memory_space<hbm>> -> memref<64xf32, #tpu.memory_space<hbm>>
        %dma_start3A_652 = arith.constant 0 : i32
        %dma_start3A_653 = tpu.memref_slice %arg13[%add3A_643, %dma_start3A_652] : memref<128x64xf32, #tpu.memory_space<vmem>> -> memref<1x64xf32, #tpu.memory_space<vmem>>
        %dma_start3A_654 = tpu.memref_squeeze %dma_start3A_653 : memref<1x64xf32, #tpu.memory_space<vmem>> -> memref<64xf32, #tpu.memory_space<vmem>>
        %dma_start3A_655 = arith.constant 0 : i32
        %dma_start3A_656 = tpu.memref_slice %arg2[%squeeze3A_645, %dma_start3A_655] : memref<1000000x64xf32, #tpu.memory_space<hbm>> -> memref<1x64xf32, #tpu.memory_space<hbm>>
        %dma_start3A_657 = tpu.memref_squeeze %dma_start3A_656 : memref<1x64xf32, #tpu.memory_space<hbm>> -> memref<64xf32, #tpu.memory_space<hbm>>
        tpu.enqueue_dma source(%dma_start3A_657 : memref<64xf32, #tpu.memory_space<hbm>>) target(%dma_start3A_654 : memref<64xf32, #tpu.memory_space<vmem>>) target_semaphore(%arg17 : memref<!tpu.dma_semaphore, #tpu.memory_space<semaphore_mem>>)
        %slice3A_658 = vector.extract_strided_slice %get3A_45 {offsets = [8], sizes = [1], strides = [1]} : vector<16xi32> to vector<1xi32>
        %squeeze3A_659 = vector.extract %slice3A_658[0] : i32 from vector<1xi32>
        %dma_start3A_660 = arith.constant 0 : i32
        %dma_start3A_661 = tpu.memref_slice %arg14[%add3A_643, %dma_start3A_660] : memref<128x64xf32, #tpu.memory_space<vmem>> -> memref<1x64xf32, #tpu.memory_space<vmem>>
        %dma_start3A_662 = tpu.memref_squeeze %dma_start3A_661 : memref<1x64xf32, #tpu.memory_space<vmem>> -> memref<64xf32, #tpu.memory_space<vmem>>
        %dma_start3A_663 = arith.constant 0 : i32
        %dma_start3A_664 = tpu.memref_slice %arg2[%squeeze3A_659, %dma_start3A_663] : memref<1000000x64xf32, #tpu.memory_space<hbm>> -> memref<1x64xf32, #tpu.memory_space<hbm>>
        %dma_start3A_665 = tpu.memref_squeeze %dma_start3A_664 : memref<1x64xf32, #tpu.memory_space<hbm>> -> memref<64xf32, #tpu.memory_space<hbm>>
        %dma_start3A_666 = arith.constant 0 : i32
        %dma_start3A_667 = tpu.memref_slice %arg14[%add3A_643, %dma_start3A_666] : memref<128x64xf32, #tpu.memory_space<vmem>> -> memref<1x64xf32, #tpu.memory_space<vmem>>
        %dma_start3A_668 = tpu.memref_squeeze %dma_start3A_667 : memref<1x64xf32, #tpu.memory_space<vmem>> -> memref<64xf32, #tpu.memory_space<vmem>>
        %dma_start3A_669 = arith.constant 0 : i32
        %dma_start3A_670 = tpu.memref_slice %arg2[%squeeze3A_659, %dma_start3A_669] : memref<1000000x64xf32, #tpu.memory_space<hbm>> -> memref<1x64xf32, #tpu.memory_space<hbm>>
        %dma_start3A_671 = tpu.memref_squeeze %dma_start3A_670 : memref<1x64xf32, #tpu.memory_space<hbm>> -> memref<64xf32, #tpu.memory_space<hbm>>
        tpu.enqueue_dma source(%dma_start3A_671 : memref<64xf32, #tpu.memory_space<hbm>>) target(%dma_start3A_668 : memref<64xf32, #tpu.memory_space<vmem>>) target_semaphore(%arg18 : memref<!tpu.dma_semaphore, #tpu.memory_space<semaphore_mem>>)
        %slice3A_672 = vector.extract_strided_slice %mul3A_51 {offsets = [8], sizes = [1], strides = [1]} : vector<16xi32> to vector<1xi32>
        %squeeze3A_673 = vector.extract %slice3A_672[0] : i32 from vector<1xi32>
        %add3A_674 = arith.constant 0 : i32
        %add3A_675 = arith.addi %squeeze3A_673, %add3A_674 : i32
        %get3A_676 = arith.index_cast %add3A_675 : i32 to index
        %get3A_677 = tpu.vector_load %arg16[%get3A_676] {strides = array<i32>} : memref<64000xf32, #tpu.memory_space<vmem>>, vector<16xf32>,
        %get3A_678 = vector.shape_cast %get3A_677 : vector<16xf32> to vector<16xf32>
        %swap3A_679 = arith.index_cast %add3A_643 : i32 to index
        %swap3A_680 = arith.constant 0 : index
        %swap3A_681 = tpu.vector_load %arg15[%swap3A_679, %swap3A_680] {strides = array<i32>} : memref<128x64xf32, #tpu.memory_space<vmem>>, vector<1x16xf32>,
        %swap3A_682 = vector.shape_cast %swap3A_681 : vector<1x16xf32> to vector<16xf32>
        %swap3A_683 = vector.shape_cast %get3A_678 : vector<16xf32> to vector<1x16xf32>
        tpu.vector_store %arg15[%swap3A_679, %swap3A_680], %swap3A_683 {strides = array<i32>} : memref<128x64xf32, #tpu.memory_space<vmem>>, vector<1x16xf32>,
        %add3A_684 = arith.constant 16 : i32
        %add3A_685 = arith.addi %squeeze3A_673, %add3A_684 : i32
        %get3A_686 = arith.index_cast %add3A_685 : i32 to index
        %get3A_687 = tpu.vector_load %arg16[%get3A_686] {strides = array<i32>} : memref<64000xf32, #tpu.memory_space<vmem>>, vector<16xf32>,
        %get3A_688 = vector.shape_cast %get3A_687 : vector<16xf32> to vector<16xf32>
        %swap3A_689 = arith.index_cast %add3A_643 : i32 to index
        %swap3A_690 = arith.constant 16 : index
        %swap3A_691 = tpu.vector_load %arg15[%swap3A_689, %swap3A_690] {strides = array<i32>} : memref<128x64xf32, #tpu.memory_space<vmem>>, vector<1x16xf32>,
        %swap3A_692 = vector.shape_cast %swap3A_691 : vector<1x16xf32> to vector<16xf32>
        %swap3A_693 = vector.shape_cast %get3A_688 : vector<16xf32> to vector<1x16xf32>
        tpu.vector_store %arg15[%swap3A_689, %swap3A_690], %swap3A_693 {strides = array<i32>} : memref<128x64xf32, #tpu.memory_space<vmem>>, vector<1x16xf32>,
        %add3A_694 = arith.constant 32 : i32
        %add3A_695 = arith.addi %squeeze3A_673, %add3A_694 : i32
        %get3A_696 = arith.index_cast %add3A_695 : i32 to index
        %get3A_697 = tpu.vector_load %arg16[%get3A_696] {strides = array<i32>} : memref<64000xf32, #tpu.memory_space<vmem>>, vector<16xf32>,
        %get3A_698 = vector.shape_cast %get3A_697 : vector<16xf32> to vector<16xf32>
        %swap3A_699 = arith.index_cast %add3A_643 : i32 to index
        %swap3A_700 = arith.constant 32 : index
        %swap3A_701 = tpu.vector_load %arg15[%swap3A_699, %swap3A_700] {strides = array<i32>} : memref<128x64xf32, #tpu.memory_space<vmem>>, vector<1x16xf32>,
        %swap3A_702 = vector.shape_cast %swap3A_701 : vector<1x16xf32> to vector<16xf32>
        %swap3A_703 = vector.shape_cast %get3A_698 : vector<16xf32> to vector<1x16xf32>
        tpu.vector_store %arg15[%swap3A_699, %swap3A_700], %swap3A_703 {strides = array<i32>} : memref<128x64xf32, #tpu.memory_space<vmem>>, vector<1x16xf32>,
        %add3A_704 = arith.constant 48 : i32
        %add3A_705 = arith.addi %squeeze3A_673, %add3A_704 : i32
        %get3A_706 = arith.index_cast %add3A_705 : i32 to index
        %get3A_707 = tpu.vector_load %arg16[%get3A_706] {strides = array<i32>} : memref<64000xf32, #tpu.memory_space<vmem>>, vector<16xf32>,
        %get3A_708 = vector.shape_cast %get3A_707 : vector<16xf32> to vector<16xf32>
        %swap3A_709 = arith.index_cast %add3A_643 : i32 to index
        %swap3A_710 = arith.constant 48 : index
        %swap3A_711 = tpu.vector_load %arg15[%swap3A_709, %swap3A_710] {strides = array<i32>} : memref<128x64xf32, #tpu.memory_space<vmem>>, vector<1x16xf32>,
        %swap3A_712 = vector.shape_cast %swap3A_711 : vector<1x16xf32> to vector<16xf32>
        %swap3A_713 = vector.shape_cast %get3A_708 : vector<16xf32> to vector<1x16xf32>
        tpu.vector_store %arg15[%swap3A_709, %swap3A_710], %swap3A_713 {strides = array<i32>} : memref<128x64xf32, #tpu.memory_space<vmem>>, vector<1x16xf32>,
        %mul3A_714 = arith.constant 16 : i32
        %mul3A_715 = arith.muli %add3A_37, %mul3A_714 : i32
        %add3A_716 = arith.constant 9 : i32
        %add3A_717 = arith.addi %mul3A_715, %add3A_716 : i32
        %slice3A_718 = vector.extract_strided_slice %get3A_42 {offsets = [9], sizes = [1], strides = [1]} : vector<16xi32> to vector<1xi32>
        %squeeze3A_719 = vector.extract %slice3A_718[0] : i32 from vector<1xi32>
        %dma_start3A_720 = arith.constant 0 : i32
        %dma_start3A_721 = tpu.memref_slice %arg13[%add3A_717, %dma_start3A_720] : memref<128x64xf32, #tpu.memory_space<vmem>> -> memref<1x64xf32, #tpu.memory_space<vmem>>
        %dma_start3A_722 = tpu.memref_squeeze %dma_start3A_721 : memref<1x64xf32, #tpu.memory_space<vmem>> -> memref<64xf32, #tpu.memory_space<vmem>>
        %dma_start3A_723 = arith.constant 0 : i32
        %dma_start3A_724 = tpu.memref_slice %arg2[%squeeze3A_719, %dma_start3A_723] : memref<1000000x64xf32, #tpu.memory_space<hbm>> -> memref<1x64xf32, #tpu.memory_space<hbm>>
        %dma_start3A_725 = tpu.memref_squeeze %dma_start3A_724 : memref<1x64xf32, #tpu.memory_space<hbm>> -> memref<64xf32, #tpu.memory_space<hbm>>
        %dma_start3A_726 = arith.constant 0 : i32
        %dma_start3A_727 = tpu.memref_slice %arg13[%add3A_717, %dma_start3A_726] : memref<128x64xf32, #tpu.memory_space<vmem>> -> memref<1x64xf32, #tpu.memory_space<vmem>>
        %dma_start3A_728 = tpu.memref_squeeze %dma_start3A_727 : memref<1x64xf32, #tpu.memory_space<vmem>> -> memref<64xf32, #tpu.memory_space<vmem>>
        %dma_start3A_729 = arith.constant 0 : i32
        %dma_start3A_730 = tpu.memref_slice %arg2[%squeeze3A_719, %dma_start3A_729] : memref<1000000x64xf32, #tpu.memory_space<hbm>> -> memref<1x64xf32, #tpu.memory_space<hbm>>
        %dma_start3A_731 = tpu.memref_squeeze %dma_start3A_730 : memref<1x64xf32, #tpu.memory_space<hbm>> -> memref<64xf32, #tpu.memory_space<hbm>>
        tpu.enqueue_dma source(%dma_start3A_731 : memref<64xf32, #tpu.memory_space<hbm>>) target(%dma_start3A_728 : memref<64xf32, #tpu.memory_space<vmem>>) target_semaphore(%arg17 : memref<!tpu.dma_semaphore, #tpu.memory_space<semaphore_mem>>)
        %slice3A_732 = vector.extract_strided_slice %get3A_45 {offsets = [9], sizes = [1], strides = [1]} : vector<16xi32> to vector<1xi32>
        %squeeze3A_733 = vector.extract %slice3A_732[0] : i32 from vector<1xi32>
        %dma_start3A_734 = arith.constant 0 : i32
        %dma_start3A_735 = tpu.memref_slice %arg14[%add3A_717, %dma_start3A_734] : memref<128x64xf32, #tpu.memory_space<vmem>> -> memref<1x64xf32, #tpu.memory_space<vmem>>
        %dma_start3A_736 = tpu.memref_squeeze %dma_start3A_735 : memref<1x64xf32, #tpu.memory_space<vmem>> -> memref<64xf32, #tpu.memory_space<vmem>>
        %dma_start3A_737 = arith.constant 0 : i32
        %dma_start3A_738 = tpu.memref_slice %arg2[%squeeze3A_733, %dma_start3A_737] : memref<1000000x64xf32, #tpu.memory_space<hbm>> -> memref<1x64xf32, #tpu.memory_space<hbm>>
        %dma_start3A_739 = tpu.memref_squeeze %dma_start3A_738 : memref<1x64xf32, #tpu.memory_space<hbm>> -> memref<64xf32, #tpu.memory_space<hbm>>
        %dma_start3A_740 = arith.constant 0 : i32
        %dma_start3A_741 = tpu.memref_slice %arg14[%add3A_717, %dma_start3A_740] : memref<128x64xf32, #tpu.memory_space<vmem>> -> memref<1x64xf32, #tpu.memory_space<vmem>>
        %dma_start3A_742 = tpu.memref_squeeze %dma_start3A_741 : memref<1x64xf32, #tpu.memory_space<vmem>> -> memref<64xf32, #tpu.memory_space<vmem>>
        %dma_start3A_743 = arith.constant 0 : i32
        %dma_start3A_744 = tpu.memref_slice %arg2[%squeeze3A_733, %dma_start3A_743] : memref<1000000x64xf32, #tpu.memory_space<hbm>> -> memref<1x64xf32, #tpu.memory_space<hbm>>
        %dma_start3A_745 = tpu.memref_squeeze %dma_start3A_744 : memref<1x64xf32, #tpu.memory_space<hbm>> -> memref<64xf32, #tpu.memory_space<hbm>>
        tpu.enqueue_dma source(%dma_start3A_745 : memref<64xf32, #tpu.memory_space<hbm>>) target(%dma_start3A_742 : memref<64xf32, #tpu.memory_space<vmem>>) target_semaphore(%arg18 : memref<!tpu.dma_semaphore, #tpu.memory_space<semaphore_mem>>)
        %slice3A_746 = vector.extract_strided_slice %mul3A_51 {offsets = [9], sizes = [1], strides = [1]} : vector<16xi32> to vector<1xi32>
        %squeeze3A_747 = vector.extract %slice3A_746[0] : i32 from vector<1xi32>
        %add3A_748 = arith.constant 0 : i32
        %add3A_749 = arith.addi %squeeze3A_747, %add3A_748 : i32
        %get3A_750 = arith.index_cast %add3A_749 : i32 to index
        %get3A_751 = tpu.vector_load %arg16[%get3A_750] {strides = array<i32>} : memref<64000xf32, #tpu.memory_space<vmem>>, vector<16xf32>,
        %get3A_752 = vector.shape_cast %get3A_751 : vector<16xf32> to vector<16xf32>
        %swap3A_753 = arith.index_cast %add3A_717 : i32 to index
        %swap3A_754 = arith.constant 0 : index
        %swap3A_755 = tpu.vector_load %arg15[%swap3A_753, %swap3A_754] {strides = array<i32>} : memref<128x64xf32, #tpu.memory_space<vmem>>, vector<1x16xf32>,
        %swap3A_756 = vector.shape_cast %swap3A_755 : vector<1x16xf32> to vector<16xf32>
        %swap3A_757 = vector.shape_cast %get3A_752 : vector<16xf32> to vector<1x16xf32>
        tpu.vector_store %arg15[%swap3A_753, %swap3A_754], %swap3A_757 {strides = array<i32>} : memref<128x64xf32, #tpu.memory_space<vmem>>, vector<1x16xf32>,
        %add3A_758 = arith.constant 16 : i32
        %add3A_759 = arith.addi %squeeze3A_747, %add3A_758 : i32
        %get3A_760 = arith.index_cast %add3A_759 : i32 to index
        %get3A_761 = tpu.vector_load %arg16[%get3A_760] {strides = array<i32>} : memref<64000xf32, #tpu.memory_space<vmem>>, vector<16xf32>,
        %get3A_762 = vector.shape_cast %get3A_761 : vector<16xf32> to vector<16xf32>
        %swap3A_763 = arith.index_cast %add3A_717 : i32 to index
        %swap3A_764 = arith.constant 16 : index
        %swap3A_765 = tpu.vector_load %arg15[%swap3A_763, %swap3A_764] {strides = array<i32>} : memref<128x64xf32, #tpu.memory_space<vmem>>, vector<1x16xf32>,
        %swap3A_766 = vector.shape_cast %swap3A_765 : vector<1x16xf32> to vector<16xf32>
        %swap3A_767 = vector.shape_cast %get3A_762 : vector<16xf32> to vector<1x16xf32>
        tpu.vector_store %arg15[%swap3A_763, %swap3A_764], %swap3A_767 {strides = array<i32>} : memref<128x64xf32, #tpu.memory_space<vmem>>, vector<1x16xf32>,
        %add3A_768 = arith.constant 32 : i32
        %add3A_769 = arith.addi %squeeze3A_747, %add3A_768 : i32
        %get3A_770 = arith.index_cast %add3A_769 : i32 to index
        %get3A_771 = tpu.vector_load %arg16[%get3A_770] {strides = array<i32>} : memref<64000xf32, #tpu.memory_space<vmem>>, vector<16xf32>,
        %get3A_772 = vector.shape_cast %get3A_771 : vector<16xf32> to vector<16xf32>
        %swap3A_773 = arith.index_cast %add3A_717 : i32 to index
        %swap3A_774 = arith.constant 32 : index
        %swap3A_775 = tpu.vector_load %arg15[%swap3A_773, %swap3A_774] {strides = array<i32>} : memref<128x64xf32, #tpu.memory_space<vmem>>, vector<1x16xf32>,
        %swap3A_776 = vector.shape_cast %swap3A_775 : vector<1x16xf32> to vector<16xf32>
        %swap3A_777 = vector.shape_cast %get3A_772 : vector<16xf32> to vector<1x16xf32>
        tpu.vector_store %arg15[%swap3A_773, %swap3A_774], %swap3A_777 {strides = array<i32>} : memref<128x64xf32, #tpu.memory_space<vmem>>, vector<1x16xf32>,
        %add3A_778 = arith.constant 48 : i32
        %add3A_779 = arith.addi %squeeze3A_747, %add3A_778 : i32
        %get3A_780 = arith.index_cast %add3A_779 : i32 to index
        %get3A_781 = tpu.vector_load %arg16[%get3A_780] {strides = array<i32>} : memref<64000xf32, #tpu.memory_space<vmem>>, vector<16xf32>,
        %get3A_782 = vector.shape_cast %get3A_781 : vector<16xf32> to vector<16xf32>
        %swap3A_783 = arith.index_cast %add3A_717 : i32 to index
        %swap3A_784 = arith.constant 48 : index
        %swap3A_785 = tpu.vector_load %arg15[%swap3A_783, %swap3A_784] {strides = array<i32>} : memref<128x64xf32, #tpu.memory_space<vmem>>, vector<1x16xf32>,
        %swap3A_786 = vector.shape_cast %swap3A_785 : vector<1x16xf32> to vector<16xf32>
        %swap3A_787 = vector.shape_cast %get3A_782 : vector<16xf32> to vector<1x16xf32>
        tpu.vector_store %arg15[%swap3A_783, %swap3A_784], %swap3A_787 {strides = array<i32>} : memref<128x64xf32, #tpu.memory_space<vmem>>, vector<1x16xf32>,
        %mul3A_788 = arith.constant 16 : i32
        %mul3A_789 = arith.muli %add3A_37, %mul3A_788 : i32
        %add3A_790 = arith.constant 10 : i32
        %add3A_791 = arith.addi %mul3A_789, %add3A_790 : i32
        %slice3A_792 = vector.extract_strided_slice %get3A_42 {offsets = [10], sizes = [1], strides = [1]} : vector<16xi32> to vector<1xi32>
        %squeeze3A_793 = vector.extract %slice3A_792[0] : i32 from vector<1xi32>
        %dma_start3A_794 = arith.constant 0 : i32
        %dma_start3A_795 = tpu.memref_slice %arg13[%add3A_791, %dma_start3A_794] : memref<128x64xf32, #tpu.memory_space<vmem>> -> memref<1x64xf32, #tpu.memory_space<vmem>>
        %dma_start3A_796 = tpu.memref_squeeze %dma_start3A_795 : memref<1x64xf32, #tpu.memory_space<vmem>> -> memref<64xf32, #tpu.memory_space<vmem>>
        %dma_start3A_797 = arith.constant 0 : i32
        %dma_start3A_798 = tpu.memref_slice %arg2[%squeeze3A_793, %dma_start3A_797] : memref<1000000x64xf32, #tpu.memory_space<hbm>> -> memref<1x64xf32, #tpu.memory_space<hbm>>
        %dma_start3A_799 = tpu.memref_squeeze %dma_start3A_798 : memref<1x64xf32, #tpu.memory_space<hbm>> -> memref<64xf32, #tpu.memory_space<hbm>>
        %dma_start3A_800 = arith.constant 0 : i32
        %dma_start3A_801 = tpu.memref_slice %arg13[%add3A_791, %dma_start3A_800] : memref<128x64xf32, #tpu.memory_space<vmem>> -> memref<1x64xf32, #tpu.memory_space<vmem>>
        %dma_start3A_802 = tpu.memref_squeeze %dma_start3A_801 : memref<1x64xf32, #tpu.memory_space<vmem>> -> memref<64xf32, #tpu.memory_space<vmem>>
        %dma_start3A_803 = arith.constant 0 : i32
        %dma_start3A_804 = tpu.memref_slice %arg2[%squeeze3A_793, %dma_start3A_803] : memref<1000000x64xf32, #tpu.memory_space<hbm>> -> memref<1x64xf32, #tpu.memory_space<hbm>>
        %dma_start3A_805 = tpu.memref_squeeze %dma_start3A_804 : memref<1x64xf32, #tpu.memory_space<hbm>> -> memref<64xf32, #tpu.memory_space<hbm>>
        tpu.enqueue_dma source(%dma_start3A_805 : memref<64xf32, #tpu.memory_space<hbm>>) target(%dma_start3A_802 : memref<64xf32, #tpu.memory_space<vmem>>) target_semaphore(%arg17 : memref<!tpu.dma_semaphore, #tpu.memory_space<semaphore_mem>>)
        %slice3A_806 = vector.extract_strided_slice %get3A_45 {offsets = [10], sizes = [1], strides = [1]} : vector<16xi32> to vector<1xi32>
        %squeeze3A_807 = vector.extract %slice3A_806[0] : i32 from vector<1xi32>
        %dma_start3A_808 = arith.constant 0 : i32
        %dma_start3A_809 = tpu.memref_slice %arg14[%add3A_791, %dma_start3A_808] : memref<128x64xf32, #tpu.memory_space<vmem>> -> memref<1x64xf32, #tpu.memory_space<vmem>>
        %dma_start3A_810 = tpu.memref_squeeze %dma_start3A_809 : memref<1x64xf32, #tpu.memory_space<vmem>> -> memref<64xf32, #tpu.memory_space<vmem>>
        %dma_start3A_811 = arith.constant 0 : i32
        %dma_start3A_812 = tpu.memref_slice %arg2[%squeeze3A_807, %dma_start3A_811] : memref<1000000x64xf32, #tpu.memory_space<hbm>> -> memref<1x64xf32, #tpu.memory_space<hbm>>
        %dma_start3A_813 = tpu.memref_squeeze %dma_start3A_812 : memref<1x64xf32, #tpu.memory_space<hbm>> -> memref<64xf32, #tpu.memory_space<hbm>>
        %dma_start3A_814 = arith.constant 0 : i32
        %dma_start3A_815 = tpu.memref_slice %arg14[%add3A_791, %dma_start3A_814] : memref<128x64xf32, #tpu.memory_space<vmem>> -> memref<1x64xf32, #tpu.memory_space<vmem>>
        %dma_start3A_816 = tpu.memref_squeeze %dma_start3A_815 : memref<1x64xf32, #tpu.memory_space<vmem>> -> memref<64xf32, #tpu.memory_space<vmem>>
        %dma_start3A_817 = arith.constant 0 : i32
        %dma_start3A_818 = tpu.memref_slice %arg2[%squeeze3A_807, %dma_start3A_817] : memref<1000000x64xf32, #tpu.memory_space<hbm>> -> memref<1x64xf32, #tpu.memory_space<hbm>>
        %dma_start3A_819 = tpu.memref_squeeze %dma_start3A_818 : memref<1x64xf32, #tpu.memory_space<hbm>> -> memref<64xf32, #tpu.memory_space<hbm>>
        tpu.enqueue_dma source(%dma_start3A_819 : memref<64xf32, #tpu.memory_space<hbm>>) target(%dma_start3A_816 : memref<64xf32, #tpu.memory_space<vmem>>) target_semaphore(%arg18 : memref<!tpu.dma_semaphore, #tpu.memory_space<semaphore_mem>>)
        %slice3A_820 = vector.extract_strided_slice %mul3A_51 {offsets = [10], sizes = [1], strides = [1]} : vector<16xi32> to vector<1xi32>
        %squeeze3A_821 = vector.extract %slice3A_820[0] : i32 from vector<1xi32>
        %add3A_822 = arith.constant 0 : i32
        %add3A_823 = arith.addi %squeeze3A_821, %add3A_822 : i32
        %get3A_824 = arith.index_cast %add3A_823 : i32 to index
        %get3A_825 = tpu.vector_load %arg16[%get3A_824] {strides = array<i32>} : memref<64000xf32, #tpu.memory_space<vmem>>, vector<16xf32>,
        %get3A_826 = vector.shape_cast %get3A_825 : vector<16xf32> to vector<16xf32>
        %swap3A_827 = arith.index_cast %add3A_791 : i32 to index
        %swap3A_828 = arith.constant 0 : index
        %swap3A_829 = tpu.vector_load %arg15[%swap3A_827, %swap3A_828] {strides = array<i32>} : memref<128x64xf32, #tpu.memory_space<vmem>>, vector<1x16xf32>,
        %swap3A_830 = vector.shape_cast %swap3A_829 : vector<1x16xf32> to vector<16xf32>
        %swap3A_831 = vector.shape_cast %get3A_826 : vector<16xf32> to vector<1x16xf32>
        tpu.vector_store %arg15[%swap3A_827, %swap3A_828], %swap3A_831 {strides = array<i32>} : memref<128x64xf32, #tpu.memory_space<vmem>>, vector<1x16xf32>,
        %add3A_832 = arith.constant 16 : i32
        %add3A_833 = arith.addi %squeeze3A_821, %add3A_832 : i32
        %get3A_834 = arith.index_cast %add3A_833 : i32 to index
        %get3A_835 = tpu.vector_load %arg16[%get3A_834] {strides = array<i32>} : memref<64000xf32, #tpu.memory_space<vmem>>, vector<16xf32>,
        %get3A_836 = vector.shape_cast %get3A_835 : vector<16xf32> to vector<16xf32>
        %swap3A_837 = arith.index_cast %add3A_791 : i32 to index
        %swap3A_838 = arith.constant 16 : index
        %swap3A_839 = tpu.vector_load %arg15[%swap3A_837, %swap3A_838] {strides = array<i32>} : memref<128x64xf32, #tpu.memory_space<vmem>>, vector<1x16xf32>,
        %swap3A_840 = vector.shape_cast %swap3A_839 : vector<1x16xf32> to vector<16xf32>
        %swap3A_841 = vector.shape_cast %get3A_836 : vector<16xf32> to vector<1x16xf32>
        tpu.vector_store %arg15[%swap3A_837, %swap3A_838], %swap3A_841 {strides = array<i32>} : memref<128x64xf32, #tpu.memory_space<vmem>>, vector<1x16xf32>,
        %add3A_842 = arith.constant 32 : i32
        %add3A_843 = arith.addi %squeeze3A_821, %add3A_842 : i32
        %get3A_844 = arith.index_cast %add3A_843 : i32 to index
        %get3A_845 = tpu.vector_load %arg16[%get3A_844] {strides = array<i32>} : memref<64000xf32, #tpu.memory_space<vmem>>, vector<16xf32>,
        %get3A_846 = vector.shape_cast %get3A_845 : vector<16xf32> to vector<16xf32>
        %swap3A_847 = arith.index_cast %add3A_791 : i32 to index
        %swap3A_848 = arith.constant 32 : index
        %swap3A_849 = tpu.vector_load %arg15[%swap3A_847, %swap3A_848] {strides = array<i32>} : memref<128x64xf32, #tpu.memory_space<vmem>>, vector<1x16xf32>,
        %swap3A_850 = vector.shape_cast %swap3A_849 : vector<1x16xf32> to vector<16xf32>
        %swap3A_851 = vector.shape_cast %get3A_846 : vector<16xf32> to vector<1x16xf32>
        tpu.vector_store %arg15[%swap3A_847, %swap3A_848], %swap3A_851 {strides = array<i32>} : memref<128x64xf32, #tpu.memory_space<vmem>>, vector<1x16xf32>,
        %add3A_852 = arith.constant 48 : i32
        %add3A_853 = arith.addi %squeeze3A_821, %add3A_852 : i32
        %get3A_854 = arith.index_cast %add3A_853 : i32 to index
        %get3A_855 = tpu.vector_load %arg16[%get3A_854] {strides = array<i32>} : memref<64000xf32, #tpu.memory_space<vmem>>, vector<16xf32>,
        %get3A_856 = vector.shape_cast %get3A_855 : vector<16xf32> to vector<16xf32>
        %swap3A_857 = arith.index_cast %add3A_791 : i32 to index
        %swap3A_858 = arith.constant 48 : index
        %swap3A_859 = tpu.vector_load %arg15[%swap3A_857, %swap3A_858] {strides = array<i32>} : memref<128x64xf32, #tpu.memory_space<vmem>>, vector<1x16xf32>,
        %swap3A_860 = vector.shape_cast %swap3A_859 : vector<1x16xf32> to vector<16xf32>
        %swap3A_861 = vector.shape_cast %get3A_856 : vector<16xf32> to vector<1x16xf32>
        tpu.vector_store %arg15[%swap3A_857, %swap3A_858], %swap3A_861 {strides = array<i32>} : memref<128x64xf32, #tpu.memory_space<vmem>>, vector<1x16xf32>,
        %mul3A_862 = arith.constant 16 : i32
        %mul3A_863 = arith.muli %add3A_37, %mul3A_862 : i32
        %add3A_864 = arith.constant 11 : i32
        %add3A_865 = arith.addi %mul3A_863, %add3A_864 : i32
        %slice3A_866 = vector.extract_strided_slice %get3A_42 {offsets = [11], sizes = [1], strides = [1]} : vector<16xi32> to vector<1xi32>
        %squeeze3A_867 = vector.extract %slice3A_866[0] : i32 from vector<1xi32>
        %dma_start3A_868 = arith.constant 0 : i32
        %dma_start3A_869 = tpu.memref_slice %arg13[%add3A_865, %dma_start3A_868] : memref<128x64xf32, #tpu.memory_space<vmem>> -> memref<1x64xf32, #tpu.memory_space<vmem>>
        %dma_start3A_870 = tpu.memref_squeeze %dma_start3A_869 : memref<1x64xf32, #tpu.memory_space<vmem>> -> memref<64xf32, #tpu.memory_space<vmem>>
        %dma_start3A_871 = arith.constant 0 : i32
        %dma_start3A_872 = tpu.memref_slice %arg2[%squeeze3A_867, %dma_start3A_871] : memref<1000000x64xf32, #tpu.memory_space<hbm>> -> memref<1x64xf32, #tpu.memory_space<hbm>>
        %dma_start3A_873 = tpu.memref_squeeze %dma_start3A_872 : memref<1x64xf32, #tpu.memory_space<hbm>> -> memref<64xf32, #tpu.memory_space<hbm>>
        %dma_start3A_874 = arith.constant 0 : i32
        %dma_start3A_875 = tpu.memref_slice %arg13[%add3A_865, %dma_start3A_874] : memref<128x64xf32, #tpu.memory_space<vmem>> -> memref<1x64xf32, #tpu.memory_space<vmem>>
        %dma_start3A_876 = tpu.memref_squeeze %dma_start3A_875 : memref<1x64xf32, #tpu.memory_space<vmem>> -> memref<64xf32, #tpu.memory_space<vmem>>
        %dma_start3A_877 = arith.constant 0 : i32
        %dma_start3A_878 = tpu.memref_slice %arg2[%squeeze3A_867, %dma_start3A_877] : memref<1000000x64xf32, #tpu.memory_space<hbm>> -> memref<1x64xf32, #tpu.memory_space<hbm>>
        %dma_start3A_879 = tpu.memref_squeeze %dma_start3A_878 : memref<1x64xf32, #tpu.memory_space<hbm>> -> memref<64xf32, #tpu.memory_space<hbm>>
        tpu.enqueue_dma source(%dma_start3A_879 : memref<64xf32, #tpu.memory_space<hbm>>) target(%dma_start3A_876 : memref<64xf32, #tpu.memory_space<vmem>>) target_semaphore(%arg17 : memref<!tpu.dma_semaphore, #tpu.memory_space<semaphore_mem>>)
        %slice3A_880 = vector.extract_strided_slice %get3A_45 {offsets = [11], sizes = [1], strides = [1]} : vector<16xi32> to vector<1xi32>
        %squeeze3A_881 = vector.extract %slice3A_880[0] : i32 from vector<1xi32>
        %dma_start3A_882 = arith.constant 0 : i32
        %dma_start3A_883 = tpu.memref_slice %arg14[%add3A_865, %dma_start3A_882] : memref<128x64xf32, #tpu.memory_space<vmem>> -> memref<1x64xf32, #tpu.memory_space<vmem>>
        %dma_start3A_884 = tpu.memref_squeeze %dma_start3A_883 : memref<1x64xf32, #tpu.memory_space<vmem>> -> memref<64xf32, #tpu.memory_space<vmem>>
        %dma_start3A_885 = arith.constant 0 : i32
        %dma_start3A_886 = tpu.memref_slice %arg2[%squeeze3A_881, %dma_start3A_885] : memref<1000000x64xf32, #tpu.memory_space<hbm>> -> memref<1x64xf32, #tpu.memory_space<hbm>>
        %dma_start3A_887 = tpu.memref_squeeze %dma_start3A_886 : memref<1x64xf32, #tpu.memory_space<hbm>> -> memref<64xf32, #tpu.memory_space<hbm>>
        %dma_start3A_888 = arith.constant 0 : i32
        %dma_start3A_889 = tpu.memref_slice %arg14[%add3A_865, %dma_start3A_888] : memref<128x64xf32, #tpu.memory_space<vmem>> -> memref<1x64xf32, #tpu.memory_space<vmem>>
        %dma_start3A_890 = tpu.memref_squeeze %dma_start3A_889 : memref<1x64xf32, #tpu.memory_space<vmem>> -> memref<64xf32, #tpu.memory_space<vmem>>
        %dma_start3A_891 = arith.constant 0 : i32
        %dma_start3A_892 = tpu.memref_slice %arg2[%squeeze3A_881, %dma_start3A_891] : memref<1000000x64xf32, #tpu.memory_space<hbm>> -> memref<1x64xf32, #tpu.memory_space<hbm>>
        %dma_start3A_893 = tpu.memref_squeeze %dma_start3A_892 : memref<1x64xf32, #tpu.memory_space<hbm>> -> memref<64xf32, #tpu.memory_space<hbm>>
        tpu.enqueue_dma source(%dma_start3A_893 : memref<64xf32, #tpu.memory_space<hbm>>) target(%dma_start3A_890 : memref<64xf32, #tpu.memory_space<vmem>>) target_semaphore(%arg18 : memref<!tpu.dma_semaphore, #tpu.memory_space<semaphore_mem>>)
        %slice3A_894 = vector.extract_strided_slice %mul3A_51 {offsets = [11], sizes = [1], strides = [1]} : vector<16xi32> to vector<1xi32>
        %squeeze3A_895 = vector.extract %slice3A_894[0] : i32 from vector<1xi32>
        %add3A_896 = arith.constant 0 : i32
        %add3A_897 = arith.addi %squeeze3A_895, %add3A_896 : i32
        %get3A_898 = arith.index_cast %add3A_897 : i32 to index
        %get3A_899 = tpu.vector_load %arg16[%get3A_898] {strides = array<i32>} : memref<64000xf32, #tpu.memory_space<vmem>>, vector<16xf32>,
        %get3A_900 = vector.shape_cast %get3A_899 : vector<16xf32> to vector<16xf32>
        %swap3A_901 = arith.index_cast %add3A_865 : i32 to index
        %swap3A_902 = arith.constant 0 : index
        %swap3A_903 = tpu.vector_load %arg15[%swap3A_901, %swap3A_902] {strides = array<i32>} : memref<128x64xf32, #tpu.memory_space<vmem>>, vector<1x16xf32>,
        %swap3A_904 = vector.shape_cast %swap3A_903 : vector<1x16xf32> to vector<16xf32>
        %swap3A_905 = vector.shape_cast %get3A_900 : vector<16xf32> to vector<1x16xf32>
        tpu.vector_store %arg15[%swap3A_901, %swap3A_902], %swap3A_905 {strides = array<i32>} : memref<128x64xf32, #tpu.memory_space<vmem>>, vector<1x16xf32>,
        %add3A_906 = arith.constant 16 : i32
        %add3A_907 = arith.addi %squeeze3A_895, %add3A_906 : i32
        %get3A_908 = arith.index_cast %add3A_907 : i32 to index
        %get3A_909 = tpu.vector_load %arg16[%get3A_908] {strides = array<i32>} : memref<64000xf32, #tpu.memory_space<vmem>>, vector<16xf32>,
        %get3A_910 = vector.shape_cast %get3A_909 : vector<16xf32> to vector<16xf32>
        %swap3A_911 = arith.index_cast %add3A_865 : i32 to index
        %swap3A_912 = arith.constant 16 : index
        %swap3A_913 = tpu.vector_load %arg15[%swap3A_911, %swap3A_912] {strides = array<i32>} : memref<128x64xf32, #tpu.memory_space<vmem>>, vector<1x16xf32>,
        %swap3A_914 = vector.shape_cast %swap3A_913 : vector<1x16xf32> to vector<16xf32>
        %swap3A_915 = vector.shape_cast %get3A_910 : vector<16xf32> to vector<1x16xf32>
        tpu.vector_store %arg15[%swap3A_911, %swap3A_912], %swap3A_915 {strides = array<i32>} : memref<128x64xf32, #tpu.memory_space<vmem>>, vector<1x16xf32>,
        %add3A_916 = arith.constant 32 : i32
        %add3A_917 = arith.addi %squeeze3A_895, %add3A_916 : i32
        %get3A_918 = arith.index_cast %add3A_917 : i32 to index
        %get3A_919 = tpu.vector_load %arg16[%get3A_918] {strides = array<i32>} : memref<64000xf32, #tpu.memory_space<vmem>>, vector<16xf32>,
        %get3A_920 = vector.shape_cast %get3A_919 : vector<16xf32> to vector<16xf32>
        %swap3A_921 = arith.index_cast %add3A_865 : i32 to index
        %swap3A_922 = arith.constant 32 : index
        %swap3A_923 = tpu.vector_load %arg15[%swap3A_921, %swap3A_922] {strides = array<i32>} : memref<128x64xf32, #tpu.memory_space<vmem>>, vector<1x16xf32>,
        %swap3A_924 = vector.shape_cast %swap3A_923 : vector<1x16xf32> to vector<16xf32>
        %swap3A_925 = vector.shape_cast %get3A_920 : vector<16xf32> to vector<1x16xf32>
        tpu.vector_store %arg15[%swap3A_921, %swap3A_922], %swap3A_925 {strides = array<i32>} : memref<128x64xf32, #tpu.memory_space<vmem>>, vector<1x16xf32>,
        %add3A_926 = arith.constant 48 : i32
        %add3A_927 = arith.addi %squeeze3A_895, %add3A_926 : i32
        %get3A_928 = arith.index_cast %add3A_927 : i32 to index
        %get3A_929 = tpu.vector_load %arg16[%get3A_928] {strides = array<i32>} : memref<64000xf32, #tpu.memory_space<vmem>>, vector<16xf32>,
        %get3A_930 = vector.shape_cast %get3A_929 : vector<16xf32> to vector<16xf32>
        %swap3A_931 = arith.index_cast %add3A_865 : i32 to index
        %swap3A_932 = arith.constant 48 : index
        %swap3A_933 = tpu.vector_load %arg15[%swap3A_931, %swap3A_932] {strides = array<i32>} : memref<128x64xf32, #tpu.memory_space<vmem>>, vector<1x16xf32>,
        %swap3A_934 = vector.shape_cast %swap3A_933 : vector<1x16xf32> to vector<16xf32>
        %swap3A_935 = vector.shape_cast %get3A_930 : vector<16xf32> to vector<1x16xf32>
        tpu.vector_store %arg15[%swap3A_931, %swap3A_932], %swap3A_935 {strides = array<i32>} : memref<128x64xf32, #tpu.memory_space<vmem>>, vector<1x16xf32>,
        %mul3A_936 = arith.constant 16 : i32
        %mul3A_937 = arith.muli %add3A_37, %mul3A_936 : i32
        %add3A_938 = arith.constant 12 : i32
        %add3A_939 = arith.addi %mul3A_937, %add3A_938 : i32
        %slice3A_940 = vector.extract_strided_slice %get3A_42 {offsets = [12], sizes = [1], strides = [1]} : vector<16xi32> to vector<1xi32>
        %squeeze3A_941 = vector.extract %slice3A_940[0] : i32 from vector<1xi32>
        %dma_start3A_942 = arith.constant 0 : i32
        %dma_start3A_943 = tpu.memref_slice %arg13[%add3A_939, %dma_start3A_942] : memref<128x64xf32, #tpu.memory_space<vmem>> -> memref<1x64xf32, #tpu.memory_space<vmem>>
        %dma_start3A_944 = tpu.memref_squeeze %dma_start3A_943 : memref<1x64xf32, #tpu.memory_space<vmem>> -> memref<64xf32, #tpu.memory_space<vmem>>
        %dma_start3A_945 = arith.constant 0 : i32
        %dma_start3A_946 = tpu.memref_slice %arg2[%squeeze3A_941, %dma_start3A_945] : memref<1000000x64xf32, #tpu.memory_space<hbm>> -> memref<1x64xf32, #tpu.memory_space<hbm>>
        %dma_start3A_947 = tpu.memref_squeeze %dma_start3A_946 : memref<1x64xf32, #tpu.memory_space<hbm>> -> memref<64xf32, #tpu.memory_space<hbm>>
        %dma_start3A_948 = arith.constant 0 : i32
        %dma_start3A_949 = tpu.memref_slice %arg13[%add3A_939, %dma_start3A_948] : memref<128x64xf32, #tpu.memory_space<vmem>> -> memref<1x64xf32, #tpu.memory_space<vmem>>
        %dma_start3A_950 = tpu.memref_squeeze %dma_start3A_949 : memref<1x64xf32, #tpu.memory_space<vmem>> -> memref<64xf32, #tpu.memory_space<vmem>>
        %dma_start3A_951 = arith.constant 0 : i32
        %dma_start3A_952 = tpu.memref_slice %arg2[%squeeze3A_941, %dma_start3A_951] : memref<1000000x64xf32, #tpu.memory_space<hbm>> -> memref<1x64xf32, #tpu.memory_space<hbm>>
        %dma_start3A_953 = tpu.memref_squeeze %dma_start3A_952 : memref<1x64xf32, #tpu.memory_space<hbm>> -> memref<64xf32, #tpu.memory_space<hbm>>
        tpu.enqueue_dma source(%dma_start3A_953 : memref<64xf32, #tpu.memory_space<hbm>>) target(%dma_start3A_950 : memref<64xf32, #tpu.memory_space<vmem>>) target_semaphore(%arg17 : memref<!tpu.dma_semaphore, #tpu.memory_space<semaphore_mem>>)
        %slice3A_954 = vector.extract_strided_slice %get3A_45 {offsets = [12], sizes = [1], strides = [1]} : vector<16xi32> to vector<1xi32>
        %squeeze3A_955 = vector.extract %slice3A_954[0] : i32 from vector<1xi32>
        %dma_start3A_956 = arith.constant 0 : i32
        %dma_start3A_957 = tpu.memref_slice %arg14[%add3A_939, %dma_start3A_956] : memref<128x64xf32, #tpu.memory_space<vmem>> -> memref<1x64xf32, #tpu.memory_space<vmem>>
        %dma_start3A_958 = tpu.memref_squeeze %dma_start3A_957 : memref<1x64xf32, #tpu.memory_space<vmem>> -> memref<64xf32, #tpu.memory_space<vmem>>
        %dma_start3A_959 = arith.constant 0 : i32
        %dma_start3A_960 = tpu.memref_slice %arg2[%squeeze3A_955, %dma_start3A_959] : memref<1000000x64xf32, #tpu.memory_space<hbm>> -> memref<1x64xf32, #tpu.memory_space<hbm>>
        %dma_start3A_961 = tpu.memref_squeeze %dma_start3A_960 : memref<1x64xf32, #tpu.memory_space<hbm>> -> memref<64xf32, #tpu.memory_space<hbm>>
        %dma_start3A_962 = arith.constant 0 : i32
        %dma_start3A_963 = tpu.memref_slice %arg14[%add3A_939, %dma_start3A_962] : memref<128x64xf32, #tpu.memory_space<vmem>> -> memref<1x64xf32, #tpu.memory_space<vmem>>
        %dma_start3A_964 = tpu.memref_squeeze %dma_start3A_963 : memref<1x64xf32, #tpu.memory_space<vmem>> -> memref<64xf32, #tpu.memory_space<vmem>>
        %dma_start3A_965 = arith.constant 0 : i32
        %dma_start3A_966 = tpu.memref_slice %arg2[%squeeze3A_955, %dma_start3A_965] : memref<1000000x64xf32, #tpu.memory_space<hbm>> -> memref<1x64xf32, #tpu.memory_space<hbm>>
        %dma_start3A_967 = tpu.memref_squeeze %dma_start3A_966 : memref<1x64xf32, #tpu.memory_space<hbm>> -> memref<64xf32, #tpu.memory_space<hbm>>
        tpu.enqueue_dma source(%dma_start3A_967 : memref<64xf32, #tpu.memory_space<hbm>>) target(%dma_start3A_964 : memref<64xf32, #tpu.memory_space<vmem>>) target_semaphore(%arg18 : memref<!tpu.dma_semaphore, #tpu.memory_space<semaphore_mem>>)
        %slice3A_968 = vector.extract_strided_slice %mul3A_51 {offsets = [12], sizes = [1], strides = [1]} : vector<16xi32> to vector<1xi32>
        %squeeze3A_969 = vector.extract %slice3A_968[0] : i32 from vector<1xi32>
        %add3A_970 = arith.constant 0 : i32
        %add3A_971 = arith.addi %squeeze3A_969, %add3A_970 : i32
        %get3A_972 = arith.index_cast %add3A_971 : i32 to index
        %get3A_973 = tpu.vector_load %arg16[%get3A_972] {strides = array<i32>} : memref<64000xf32, #tpu.memory_space<vmem>>, vector<16xf32>,
        %get3A_974 = vector.shape_cast %get3A_973 : vector<16xf32> to vector<16xf32>
        %swap3A_975 = arith.index_cast %add3A_939 : i32 to index
        %swap3A_976 = arith.constant 0 : index
        %swap3A_977 = tpu.vector_load %arg15[%swap3A_975, %swap3A_976] {strides = array<i32>} : memref<128x64xf32, #tpu.memory_space<vmem>>, vector<1x16xf32>,
        %swap3A_978 = vector.shape_cast %swap3A_977 : vector<1x16xf32> to vector<16xf32>
        %swap3A_979 = vector.shape_cast %get3A_974 : vector<16xf32> to vector<1x16xf32>
        tpu.vector_store %arg15[%swap3A_975, %swap3A_976], %swap3A_979 {strides = array<i32>} : memref<128x64xf32, #tpu.memory_space<vmem>>, vector<1x16xf32>,
        %add3A_980 = arith.constant 16 : i32
        %add3A_981 = arith.addi %squeeze3A_969, %add3A_980 : i32
        %get3A_982 = arith.index_cast %add3A_981 : i32 to index
        %get3A_983 = tpu.vector_load %arg16[%get3A_982] {strides = array<i32>} : memref<64000xf32, #tpu.memory_space<vmem>>, vector<16xf32>,
        %get3A_984 = vector.shape_cast %get3A_983 : vector<16xf32> to vector<16xf32>
        %swap3A_985 = arith.index_cast %add3A_939 : i32 to index
        %swap3A_986 = arith.constant 16 : index
        %swap3A_987 = tpu.vector_load %arg15[%swap3A_985, %swap3A_986] {strides = array<i32>} : memref<128x64xf32, #tpu.memory_space<vmem>>, vector<1x16xf32>,
        %swap3A_988 = vector.shape_cast %swap3A_987 : vector<1x16xf32> to vector<16xf32>
        %swap3A_989 = vector.shape_cast %get3A_984 : vector<16xf32> to vector<1x16xf32>
        tpu.vector_store %arg15[%swap3A_985, %swap3A_986], %swap3A_989 {strides = array<i32>} : memref<128x64xf32, #tpu.memory_space<vmem>>, vector<1x16xf32>,
        %add3A_990 = arith.constant 32 : i32
        %add3A_991 = arith.addi %squeeze3A_969, %add3A_990 : i32
        %get3A_992 = arith.index_cast %add3A_991 : i32 to index
        %get3A_993 = tpu.vector_load %arg16[%get3A_992] {strides = array<i32>} : memref<64000xf32, #tpu.memory_space<vmem>>, vector<16xf32>,
        %get3A_994 = vector.shape_cast %get3A_993 : vector<16xf32> to vector<16xf32>
        %swap3A_995 = arith.index_cast %add3A_939 : i32 to index
        %swap3A_996 = arith.constant 32 : index
        %swap3A_997 = tpu.vector_load %arg15[%swap3A_995, %swap3A_996] {strides = array<i32>} : memref<128x64xf32, #tpu.memory_space<vmem>>, vector<1x16xf32>,
        %swap3A_998 = vector.shape_cast %swap3A_997 : vector<1x16xf32> to vector<16xf32>
        %swap3A_999 = vector.shape_cast %get3A_994 : vector<16xf32> to vector<1x16xf32>
        tpu.vector_store %arg15[%swap3A_995, %swap3A_996], %swap3A_999 {strides = array<i32>} : memref<128x64xf32, #tpu.memory_space<vmem>>, vector<1x16xf32>,
        %add3A_1000 = arith.constant 48 : i32
        %add3A_1001 = arith.addi %squeeze3A_969, %add3A_1000 : i32
        %get3A_1002 = arith.index_cast %add3A_1001 : i32 to index
        %get3A_1003 = tpu.vector_load %arg16[%get3A_1002] {strides = array<i32>} : memref<64000xf32, #tpu.memory_space<vmem>>, vector<16xf32>,
        %get3A_1004 = vector.shape_cast %get3A_1003 : vector<16xf32> to vector<16xf32>
        %swap3A_1005 = arith.index_cast %add3A_939 : i32 to index
        %swap3A_1006 = arith.constant 48 : index
        %swap3A_1007 = tpu.vector_load %arg15[%swap3A_1005, %swap3A_1006] {strides = array<i32>} : memref<128x64xf32, #tpu.memory_space<vmem>>, vector<1x16xf32>,
        %swap3A_1008 = vector.shape_cast %swap3A_1007 : vector<1x16xf32> to vector<16xf32>
        %swap3A_1009 = vector.shape_cast %get3A_1004 : vector<16xf32> to vector<1x16xf32>
        tpu.vector_store %arg15[%swap3A_1005, %swap3A_1006], %swap3A_1009 {strides = array<i32>} : memref<128x64xf32, #tpu.memory_space<vmem>>, vector<1x16xf32>,
        %mul3A_1010 = arith.constant 16 : i32
        %mul3A_1011 = arith.muli %add3A_37, %mul3A_1010 : i32
        %add3A_1012 = arith.constant 13 : i32
        %add3A_1013 = arith.addi %mul3A_1011, %add3A_1012 : i32
        %slice3A_1014 = vector.extract_strided_slice %get3A_42 {offsets = [13], sizes = [1], strides = [1]} : vector<16xi32> to vector<1xi32>
        %squeeze3A_1015 = vector.extract %slice3A_1014[0] : i32 from vector<1xi32>
        %dma_start3A_1016 = arith.constant 0 : i32
        %dma_start3A_1017 = tpu.memref_slice %arg13[%add3A_1013, %dma_start3A_1016] : memref<128x64xf32, #tpu.memory_space<vmem>> -> memref<1x64xf32, #tpu.memory_space<vmem>>
        %dma_start3A_1018 = tpu.memref_squeeze %dma_start3A_1017 : memref<1x64xf32, #tpu.memory_space<vmem>> -> memref<64xf32, #tpu.memory_space<vmem>>
        %dma_start3A_1019 = arith.constant 0 : i32
        %dma_start3A_1020 = tpu.memref_slice %arg2[%squeeze3A_1015, %dma_start3A_1019] : memref<1000000x64xf32, #tpu.memory_space<hbm>> -> memref<1x64xf32, #tpu.memory_space<hbm>>
        %dma_start3A_1021 = tpu.memref_squeeze %dma_start3A_1020 : memref<1x64xf32, #tpu.memory_space<hbm>> -> memref<64xf32, #tpu.memory_space<hbm>>
        %dma_start3A_1022 = arith.constant 0 : i32
        %dma_start3A_1023 = tpu.memref_slice %arg13[%add3A_1013, %dma_start3A_1022] : memref<128x64xf32, #tpu.memory_space<vmem>> -> memref<1x64xf32, #tpu.memory_space<vmem>>
        %dma_start3A_1024 = tpu.memref_squeeze %dma_start3A_1023 : memref<1x64xf32, #tpu.memory_space<vmem>> -> memref<64xf32, #tpu.memory_space<vmem>>
        %dma_start3A_1025 = arith.constant 0 : i32
        %dma_start3A_1026 = tpu.memref_slice %arg2[%squeeze3A_1015, %dma_start3A_1025] : memref<1000000x64xf32, #tpu.memory_space<hbm>> -> memref<1x64xf32, #tpu.memory_space<hbm>>
        %dma_start3A_1027 = tpu.memref_squeeze %dma_start3A_1026 : memref<1x64xf32, #tpu.memory_space<hbm>> -> memref<64xf32, #tpu.memory_space<hbm>>
        tpu.enqueue_dma source(%dma_start3A_1027 : memref<64xf32, #tpu.memory_space<hbm>>) target(%dma_start3A_1024 : memref<64xf32, #tpu.memory_space<vmem>>) target_semaphore(%arg17 : memref<!tpu.dma_semaphore, #tpu.memory_space<semaphore_mem>>)
        %slice3A_1028 = vector.extract_strided_slice %get3A_45 {offsets = [13], sizes = [1], strides = [1]} : vector<16xi32> to vector<1xi32>
        %squeeze3A_1029 = vector.extract %slice3A_1028[0] : i32 from vector<1xi32>
        %dma_start3A_1030 = arith.constant 0 : i32
        %dma_start3A_1031 = tpu.memref_slice %arg14[%add3A_1013, %dma_start3A_1030] : memref<128x64xf32, #tpu.memory_space<vmem>> -> memref<1x64xf32, #tpu.memory_space<vmem>>
        %dma_start3A_1032 = tpu.memref_squeeze %dma_start3A_1031 : memref<1x64xf32, #tpu.memory_space<vmem>> -> memref<64xf32, #tpu.memory_space<vmem>>
        %dma_start3A_1033 = arith.constant 0 : i32
        %dma_start3A_1034 = tpu.memref_slice %arg2[%squeeze3A_1029, %dma_start3A_1033] : memref<1000000x64xf32, #tpu.memory_space<hbm>> -> memref<1x64xf32, #tpu.memory_space<hbm>>
        %dma_start3A_1035 = tpu.memref_squeeze %dma_start3A_1034 : memref<1x64xf32, #tpu.memory_space<hbm>> -> memref<64xf32, #tpu.memory_space<hbm>>
        %dma_start3A_1036 = arith.constant 0 : i32
        %dma_start3A_1037 = tpu.memref_slice %arg14[%add3A_1013, %dma_start3A_1036] : memref<128x64xf32, #tpu.memory_space<vmem>> -> memref<1x64xf32, #tpu.memory_space<vmem>>
        %dma_start3A_1038 = tpu.memref_squeeze %dma_start3A_1037 : memref<1x64xf32, #tpu.memory_space<vmem>> -> memref<64xf32, #tpu.memory_space<vmem>>
        %dma_start3A_1039 = arith.constant 0 : i32
        %dma_start3A_1040 = tpu.memref_slice %arg2[%squeeze3A_1029, %dma_start3A_1039] : memref<1000000x64xf32, #tpu.memory_space<hbm>> -> memref<1x64xf32, #tpu.memory_space<hbm>>
        %dma_start3A_1041 = tpu.memref_squeeze %dma_start3A_1040 : memref<1x64xf32, #tpu.memory_space<hbm>> -> memref<64xf32, #tpu.memory_space<hbm>>
        tpu.enqueue_dma source(%dma_start3A_1041 : memref<64xf32, #tpu.memory_space<hbm>>) target(%dma_start3A_1038 : memref<64xf32, #tpu.memory_space<vmem>>) target_semaphore(%arg18 : memref<!tpu.dma_semaphore, #tpu.memory_space<semaphore_mem>>)
        %slice3A_1042 = vector.extract_strided_slice %mul3A_51 {offsets = [13], sizes = [1], strides = [1]} : vector<16xi32> to vector<1xi32>
        %squeeze3A_1043 = vector.extract %slice3A_1042[0] : i32 from vector<1xi32>
        %add3A_1044 = arith.constant 0 : i32
        %add3A_1045 = arith.addi %squeeze3A_1043, %add3A_1044 : i32
        %get3A_1046 = arith.index_cast %add3A_1045 : i32 to index
        %get3A_1047 = tpu.vector_load %arg16[%get3A_1046] {strides = array<i32>} : memref<64000xf32, #tpu.memory_space<vmem>>, vector<16xf32>,
        %get3A_1048 = vector.shape_cast %get3A_1047 : vector<16xf32> to vector<16xf32>
        %swap3A_1049 = arith.index_cast %add3A_1013 : i32 to index
        %swap3A_1050 = arith.constant 0 : index
        %swap3A_1051 = tpu.vector_load %arg15[%swap3A_1049, %swap3A_1050] {strides = array<i32>} : memref<128x64xf32, #tpu.memory_space<vmem>>, vector<1x16xf32>,
        %swap3A_1052 = vector.shape_cast %swap3A_1051 : vector<1x16xf32> to vector<16xf32>
        %swap3A_1053 = vector.shape_cast %get3A_1048 : vector<16xf32> to vector<1x16xf32>
        tpu.vector_store %arg15[%swap3A_1049, %swap3A_1050], %swap3A_1053 {strides = array<i32>} : memref<128x64xf32, #tpu.memory_space<vmem>>, vector<1x16xf32>,
        %add3A_1054 = arith.constant 16 : i32
        %add3A_1055 = arith.addi %squeeze3A_1043, %add3A_1054 : i32
        %get3A_1056 = arith.index_cast %add3A_1055 : i32 to index
        %get3A_1057 = tpu.vector_load %arg16[%get3A_1056] {strides = array<i32>} : memref<64000xf32, #tpu.memory_space<vmem>>, vector<16xf32>,
        %get3A_1058 = vector.shape_cast %get3A_1057 : vector<16xf32> to vector<16xf32>
        %swap3A_1059 = arith.index_cast %add3A_1013 : i32 to index
        %swap3A_1060 = arith.constant 16 : index
        %swap3A_1061 = tpu.vector_load %arg15[%swap3A_1059, %swap3A_1060] {strides = array<i32>} : memref<128x64xf32, #tpu.memory_space<vmem>>, vector<1x16xf32>,
        %swap3A_1062 = vector.shape_cast %swap3A_1061 : vector<1x16xf32> to vector<16xf32>
        %swap3A_1063 = vector.shape_cast %get3A_1058 : vector<16xf32> to vector<1x16xf32>
        tpu.vector_store %arg15[%swap3A_1059, %swap3A_1060], %swap3A_1063 {strides = array<i32>} : memref<128x64xf32, #tpu.memory_space<vmem>>, vector<1x16xf32>,
        %add3A_1064 = arith.constant 32 : i32
        %add3A_1065 = arith.addi %squeeze3A_1043, %add3A_1064 : i32
        %get3A_1066 = arith.index_cast %add3A_1065 : i32 to index
        %get3A_1067 = tpu.vector_load %arg16[%get3A_1066] {strides = array<i32>} : memref<64000xf32, #tpu.memory_space<vmem>>, vector<16xf32>,
        %get3A_1068 = vector.shape_cast %get3A_1067 : vector<16xf32> to vector<16xf32>
        %swap3A_1069 = arith.index_cast %add3A_1013 : i32 to index
        %swap3A_1070 = arith.constant 32 : index
        %swap3A_1071 = tpu.vector_load %arg15[%swap3A_1069, %swap3A_1070] {strides = array<i32>} : memref<128x64xf32, #tpu.memory_space<vmem>>, vector<1x16xf32>,
        %swap3A_1072 = vector.shape_cast %swap3A_1071 : vector<1x16xf32> to vector<16xf32>
        %swap3A_1073 = vector.shape_cast %get3A_1068 : vector<16xf32> to vector<1x16xf32>
        tpu.vector_store %arg15[%swap3A_1069, %swap3A_1070], %swap3A_1073 {strides = array<i32>} : memref<128x64xf32, #tpu.memory_space<vmem>>, vector<1x16xf32>,
        %add3A_1074 = arith.constant 48 : i32
        %add3A_1075 = arith.addi %squeeze3A_1043, %add3A_1074 : i32
        %get3A_1076 = arith.index_cast %add3A_1075 : i32 to index
        %get3A_1077 = tpu.vector_load %arg16[%get3A_1076] {strides = array<i32>} : memref<64000xf32, #tpu.memory_space<vmem>>, vector<16xf32>,
        %get3A_1078 = vector.shape_cast %get3A_1077 : vector<16xf32> to vector<16xf32>
        %swap3A_1079 = arith.index_cast %add3A_1013 : i32 to index
        %swap3A_1080 = arith.constant 48 : index
        %swap3A_1081 = tpu.vector_load %arg15[%swap3A_1079, %swap3A_1080] {strides = array<i32>} : memref<128x64xf32, #tpu.memory_space<vmem>>, vector<1x16xf32>,
        %swap3A_1082 = vector.shape_cast %swap3A_1081 : vector<1x16xf32> to vector<16xf32>
        %swap3A_1083 = vector.shape_cast %get3A_1078 : vector<16xf32> to vector<1x16xf32>
        tpu.vector_store %arg15[%swap3A_1079, %swap3A_1080], %swap3A_1083 {strides = array<i32>} : memref<128x64xf32, #tpu.memory_space<vmem>>, vector<1x16xf32>,
        %mul3A_1084 = arith.constant 16 : i32
        %mul3A_1085 = arith.muli %add3A_37, %mul3A_1084 : i32
        %add3A_1086 = arith.constant 14 : i32
        %add3A_1087 = arith.addi %mul3A_1085, %add3A_1086 : i32
        %slice3A_1088 = vector.extract_strided_slice %get3A_42 {offsets = [14], sizes = [1], strides = [1]} : vector<16xi32> to vector<1xi32>
        %squeeze3A_1089 = vector.extract %slice3A_1088[0] : i32 from vector<1xi32>
        %dma_start3A_1090 = arith.constant 0 : i32
        %dma_start3A_1091 = tpu.memref_slice %arg13[%add3A_1087, %dma_start3A_1090] : memref<128x64xf32, #tpu.memory_space<vmem>> -> memref<1x64xf32, #tpu.memory_space<vmem>>
        %dma_start3A_1092 = tpu.memref_squeeze %dma_start3A_1091 : memref<1x64xf32, #tpu.memory_space<vmem>> -> memref<64xf32, #tpu.memory_space<vmem>>
        %dma_start3A_1093 = arith.constant 0 : i32
        %dma_start3A_1094 = tpu.memref_slice %arg2[%squeeze3A_1089, %dma_start3A_1093] : memref<1000000x64xf32, #tpu.memory_space<hbm>> -> memref<1x64xf32, #tpu.memory_space<hbm>>
        %dma_start3A_1095 = tpu.memref_squeeze %dma_start3A_1094 : memref<1x64xf32, #tpu.memory_space<hbm>> -> memref<64xf32, #tpu.memory_space<hbm>>
        %dma_start3A_1096 = arith.constant 0 : i32
        %dma_start3A_1097 = tpu.memref_slice %arg13[%add3A_1087, %dma_start3A_1096] : memref<128x64xf32, #tpu.memory_space<vmem>> -> memref<1x64xf32, #tpu.memory_space<vmem>>
        %dma_start3A_1098 = tpu.memref_squeeze %dma_start3A_1097 : memref<1x64xf32, #tpu.memory_space<vmem>> -> memref<64xf32, #tpu.memory_space<vmem>>
        %dma_start3A_1099 = arith.constant 0 : i32
        %dma_start3A_1100 = tpu.memref_slice %arg2[%squeeze3A_1089, %dma_start3A_1099] : memref<1000000x64xf32, #tpu.memory_space<hbm>> -> memref<1x64xf32, #tpu.memory_space<hbm>>
        %dma_start3A_1101 = tpu.memref_squeeze %dma_start3A_1100 : memref<1x64xf32, #tpu.memory_space<hbm>> -> memref<64xf32, #tpu.memory_space<hbm>>
        tpu.enqueue_dma source(%dma_start3A_1101 : memref<64xf32, #tpu.memory_space<hbm>>) target(%dma_start3A_1098 : memref<64xf32, #tpu.memory_space<vmem>>) target_semaphore(%arg17 : memref<!tpu.dma_semaphore, #tpu.memory_space<semaphore_mem>>)
        %slice3A_1102 = vector.extract_strided_slice %get3A_45 {offsets = [14], sizes = [1], strides = [1]} : vector<16xi32> to vector<1xi32>
        %squeeze3A_1103 = vector.extract %slice3A_1102[0] : i32 from vector<1xi32>
        %dma_start3A_1104 = arith.constant 0 : i32
        %dma_start3A_1105 = tpu.memref_slice %arg14[%add3A_1087, %dma_start3A_1104] : memref<128x64xf32, #tpu.memory_space<vmem>> -> memref<1x64xf32, #tpu.memory_space<vmem>>
        %dma_start3A_1106 = tpu.memref_squeeze %dma_start3A_1105 : memref<1x64xf32, #tpu.memory_space<vmem>> -> memref<64xf32, #tpu.memory_space<vmem>>
        %dma_start3A_1107 = arith.constant 0 : i32
        %dma_start3A_1108 = tpu.memref_slice %arg2[%squeeze3A_1103, %dma_start3A_1107] : memref<1000000x64xf32, #tpu.memory_space<hbm>> -> memref<1x64xf32, #tpu.memory_space<hbm>>
        %dma_start3A_1109 = tpu.memref_squeeze %dma_start3A_1108 : memref<1x64xf32, #tpu.memory_space<hbm>> -> memref<64xf32, #tpu.memory_space<hbm>>
        %dma_start3A_1110 = arith.constant 0 : i32
        %dma_start3A_1111 = tpu.memref_slice %arg14[%add3A_1087, %dma_start3A_1110] : memref<128x64xf32, #tpu.memory_space<vmem>> -> memref<1x64xf32, #tpu.memory_space<vmem>>
        %dma_start3A_1112 = tpu.memref_squeeze %dma_start3A_1111 : memref<1x64xf32, #tpu.memory_space<vmem>> -> memref<64xf32, #tpu.memory_space<vmem>>
        %dma_start3A_1113 = arith.constant 0 : i32
        %dma_start3A_1114 = tpu.memref_slice %arg2[%squeeze3A_1103, %dma_start3A_1113] : memref<1000000x64xf32, #tpu.memory_space<hbm>> -> memref<1x64xf32, #tpu.memory_space<hbm>>
        %dma_start3A_1115 = tpu.memref_squeeze %dma_start3A_1114 : memref<1x64xf32, #tpu.memory_space<hbm>> -> memref<64xf32, #tpu.memory_space<hbm>>
        tpu.enqueue_dma source(%dma_start3A_1115 : memref<64xf32, #tpu.memory_space<hbm>>) target(%dma_start3A_1112 : memref<64xf32, #tpu.memory_space<vmem>>) target_semaphore(%arg18 : memref<!tpu.dma_semaphore, #tpu.memory_space<semaphore_mem>>)
        %slice3A_1116 = vector.extract_strided_slice %mul3A_51 {offsets = [14], sizes = [1], strides = [1]} : vector<16xi32> to vector<1xi32>
        %squeeze3A_1117 = vector.extract %slice3A_1116[0] : i32 from vector<1xi32>
        %add3A_1118 = arith.constant 0 : i32
        %add3A_1119 = arith.addi %squeeze3A_1117, %add3A_1118 : i32
        %get3A_1120 = arith.index_cast %add3A_1119 : i32 to index
        %get3A_1121 = tpu.vector_load %arg16[%get3A_1120] {strides = array<i32>} : memref<64000xf32, #tpu.memory_space<vmem>>, vector<16xf32>,
        %get3A_1122 = vector.shape_cast %get3A_1121 : vector<16xf32> to vector<16xf32>
        %swap3A_1123 = arith.index_cast %add3A_1087 : i32 to index
        %swap3A_1124 = arith.constant 0 : index
        %swap3A_1125 = tpu.vector_load %arg15[%swap3A_1123, %swap3A_1124] {strides = array<i32>} : memref<128x64xf32, #tpu.memory_space<vmem>>, vector<1x16xf32>,
        %swap3A_1126 = vector.shape_cast %swap3A_1125 : vector<1x16xf32> to vector<16xf32>
        %swap3A_1127 = vector.shape_cast %get3A_1122 : vector<16xf32> to vector<1x16xf32>
        tpu.vector_store %arg15[%swap3A_1123, %swap3A_1124], %swap3A_1127 {strides = array<i32>} : memref<128x64xf32, #tpu.memory_space<vmem>>, vector<1x16xf32>,
        %add3A_1128 = arith.constant 16 : i32
        %add3A_1129 = arith.addi %squeeze3A_1117, %add3A_1128 : i32
        %get3A_1130 = arith.index_cast %add3A_1129 : i32 to index
        %get3A_1131 = tpu.vector_load %arg16[%get3A_1130] {strides = array<i32>} : memref<64000xf32, #tpu.memory_space<vmem>>, vector<16xf32>,
        %get3A_1132 = vector.shape_cast %get3A_1131 : vector<16xf32> to vector<16xf32>
        %swap3A_1133 = arith.index_cast %add3A_1087 : i32 to index
        %swap3A_1134 = arith.constant 16 : index
        %swap3A_1135 = tpu.vector_load %arg15[%swap3A_1133, %swap3A_1134] {strides = array<i32>} : memref<128x64xf32, #tpu.memory_space<vmem>>, vector<1x16xf32>,
        %swap3A_1136 = vector.shape_cast %swap3A_1135 : vector<1x16xf32> to vector<16xf32>
        %swap3A_1137 = vector.shape_cast %get3A_1132 : vector<16xf32> to vector<1x16xf32>
        tpu.vector_store %arg15[%swap3A_1133, %swap3A_1134], %swap3A_1137 {strides = array<i32>} : memref<128x64xf32, #tpu.memory_space<vmem>>, vector<1x16xf32>,
        %add3A_1138 = arith.constant 32 : i32
        %add3A_1139 = arith.addi %squeeze3A_1117, %add3A_1138 : i32
        %get3A_1140 = arith.index_cast %add3A_1139 : i32 to index
        %get3A_1141 = tpu.vector_load %arg16[%get3A_1140] {strides = array<i32>} : memref<64000xf32, #tpu.memory_space<vmem>>, vector<16xf32>,
        %get3A_1142 = vector.shape_cast %get3A_1141 : vector<16xf32> to vector<16xf32>
        %swap3A_1143 = arith.index_cast %add3A_1087 : i32 to index
        %swap3A_1144 = arith.constant 32 : index
        %swap3A_1145 = tpu.vector_load %arg15[%swap3A_1143, %swap3A_1144] {strides = array<i32>} : memref<128x64xf32, #tpu.memory_space<vmem>>, vector<1x16xf32>,
        %swap3A_1146 = vector.shape_cast %swap3A_1145 : vector<1x16xf32> to vector<16xf32>
        %swap3A_1147 = vector.shape_cast %get3A_1142 : vector<16xf32> to vector<1x16xf32>
        tpu.vector_store %arg15[%swap3A_1143, %swap3A_1144], %swap3A_1147 {strides = array<i32>} : memref<128x64xf32, #tpu.memory_space<vmem>>, vector<1x16xf32>,
        %add3A_1148 = arith.constant 48 : i32
        %add3A_1149 = arith.addi %squeeze3A_1117, %add3A_1148 : i32
        %get3A_1150 = arith.index_cast %add3A_1149 : i32 to index
        %get3A_1151 = tpu.vector_load %arg16[%get3A_1150] {strides = array<i32>} : memref<64000xf32, #tpu.memory_space<vmem>>, vector<16xf32>,
        %get3A_1152 = vector.shape_cast %get3A_1151 : vector<16xf32> to vector<16xf32>
        %swap3A_1153 = arith.index_cast %add3A_1087 : i32 to index
        %swap3A_1154 = arith.constant 48 : index
        %swap3A_1155 = tpu.vector_load %arg15[%swap3A_1153, %swap3A_1154] {strides = array<i32>} : memref<128x64xf32, #tpu.memory_space<vmem>>, vector<1x16xf32>,
        %swap3A_1156 = vector.shape_cast %swap3A_1155 : vector<1x16xf32> to vector<16xf32>
        %swap3A_1157 = vector.shape_cast %get3A_1152 : vector<16xf32> to vector<1x16xf32>
        tpu.vector_store %arg15[%swap3A_1153, %swap3A_1154], %swap3A_1157 {strides = array<i32>} : memref<128x64xf32, #tpu.memory_space<vmem>>, vector<1x16xf32>,
        %mul3A_1158 = arith.constant 16 : i32
        %mul3A_1159 = arith.muli %add3A_37, %mul3A_1158 : i32
        %add3A_1160 = arith.constant 15 : i32
        %add3A_1161 = arith.addi %mul3A_1159, %add3A_1160 : i32
        %slice3A_1162 = vector.extract_strided_slice %get3A_42 {offsets = [15], sizes = [1], strides = [1]} : vector<16xi32> to vector<1xi32>
        %squeeze3A_1163 = vector.extract %slice3A_1162[0] : i32 from vector<1xi32>
        %dma_start3A_1164 = arith.constant 0 : i32
        %dma_start3A_1165 = tpu.memref_slice %arg13[%add3A_1161, %dma_start3A_1164] : memref<128x64xf32, #tpu.memory_space<vmem>> -> memref<1x64xf32, #tpu.memory_space<vmem>>
        %dma_start3A_1166 = tpu.memref_squeeze %dma_start3A_1165 : memref<1x64xf32, #tpu.memory_space<vmem>> -> memref<64xf32, #tpu.memory_space<vmem>>
        %dma_start3A_1167 = arith.constant 0 : i32
        %dma_start3A_1168 = tpu.memref_slice %arg2[%squeeze3A_1163, %dma_start3A_1167] : memref<1000000x64xf32, #tpu.memory_space<hbm>> -> memref<1x64xf32, #tpu.memory_space<hbm>>
        %dma_start3A_1169 = tpu.memref_squeeze %dma_start3A_1168 : memref<1x64xf32, #tpu.memory_space<hbm>> -> memref<64xf32, #tpu.memory_space<hbm>>
        %dma_start3A_1170 = arith.constant 0 : i32
        %dma_start3A_1171 = tpu.memref_slice %arg13[%add3A_1161, %dma_start3A_1170] : memref<128x64xf32, #tpu.memory_space<vmem>> -> memref<1x64xf32, #tpu.memory_space<vmem>>
        %dma_start3A_1172 = tpu.memref_squeeze %dma_start3A_1171 : memref<1x64xf32, #tpu.memory_space<vmem>> -> memref<64xf32, #tpu.memory_space<vmem>>
        %dma_start3A_1173 = arith.constant 0 : i32
        %dma_start3A_1174 = tpu.memref_slice %arg2[%squeeze3A_1163, %dma_start3A_1173] : memref<1000000x64xf32, #tpu.memory_space<hbm>> -> memref<1x64xf32, #tpu.memory_space<hbm>>
        %dma_start3A_1175 = tpu.memref_squeeze %dma_start3A_1174 : memref<1x64xf32, #tpu.memory_space<hbm>> -> memref<64xf32, #tpu.memory_space<hbm>>
        tpu.enqueue_dma source(%dma_start3A_1175 : memref<64xf32, #tpu.memory_space<hbm>>) target(%dma_start3A_1172 : memref<64xf32, #tpu.memory_space<vmem>>) target_semaphore(%arg17 : memref<!tpu.dma_semaphore, #tpu.memory_space<semaphore_mem>>)
        %slice3A_1176 = vector.extract_strided_slice %get3A_45 {offsets = [15], sizes = [1], strides = [1]} : vector<16xi32> to vector<1xi32>
        %squeeze3A_1177 = vector.extract %slice3A_1176[0] : i32 from vector<1xi32>
        %dma_start3A_1178 = arith.constant 0 : i32
        %dma_start3A_1179 = tpu.memref_slice %arg14[%add3A_1161, %dma_start3A_1178] : memref<128x64xf32, #tpu.memory_space<vmem>> -> memref<1x64xf32, #tpu.memory_space<vmem>>
        %dma_start3A_1180 = tpu.memref_squeeze %dma_start3A_1179 : memref<1x64xf32, #tpu.memory_space<vmem>> -> memref<64xf32, #tpu.memory_space<vmem>>
        %dma_start3A_1181 = arith.constant 0 : i32
        %dma_start3A_1182 = tpu.memref_slice %arg2[%squeeze3A_1177, %dma_start3A_1181] : memref<1000000x64xf32, #tpu.memory_space<hbm>> -> memref<1x64xf32, #tpu.memory_space<hbm>>
        %dma_start3A_1183 = tpu.memref_squeeze %dma_start3A_1182 : memref<1x64xf32, #tpu.memory_space<hbm>> -> memref<64xf32, #tpu.memory_space<hbm>>
        %dma_start3A_1184 = arith.constant 0 : i32
        %dma_start3A_1185 = tpu.memref_slice %arg14[%add3A_1161, %dma_start3A_1184] : memref<128x64xf32, #tpu.memory_space<vmem>> -> memref<1x64xf32, #tpu.memory_space<vmem>>
        %dma_start3A_1186 = tpu.memref_squeeze %dma_start3A_1185 : memref<1x64xf32, #tpu.memory_space<vmem>> -> memref<64xf32, #tpu.memory_space<vmem>>
        %dma_start3A_1187 = arith.constant 0 : i32
        %dma_start3A_1188 = tpu.memref_slice %arg2[%squeeze3A_1177, %dma_start3A_1187] : memref<1000000x64xf32, #tpu.memory_space<hbm>> -> memref<1x64xf32, #tpu.memory_space<hbm>>
        %dma_start3A_1189 = tpu.memref_squeeze %dma_start3A_1188 : memref<1x64xf32, #tpu.memory_space<hbm>> -> memref<64xf32, #tpu.memory_space<hbm>>
        tpu.enqueue_dma source(%dma_start3A_1189 : memref<64xf32, #tpu.memory_space<hbm>>) target(%dma_start3A_1186 : memref<64xf32, #tpu.memory_space<vmem>>) target_semaphore(%arg18 : memref<!tpu.dma_semaphore, #tpu.memory_space<semaphore_mem>>)
        %slice3A_1190 = vector.extract_strided_slice %mul3A_51 {offsets = [15], sizes = [1], strides = [1]} : vector<16xi32> to vector<1xi32>
        %squeeze3A_1191 = vector.extract %slice3A_1190[0] : i32 from vector<1xi32>
        %add3A_1192 = arith.constant 0 : i32
        %add3A_1193 = arith.addi %squeeze3A_1191, %add3A_1192 : i32
        %get3A_1194 = arith.index_cast %add3A_1193 : i32 to index
        %get3A_1195 = tpu.vector_load %arg16[%get3A_1194] {strides = array<i32>} : memref<64000xf32, #tpu.memory_space<vmem>>, vector<16xf32>,
        %get3A_1196 = vector.shape_cast %get3A_1195 : vector<16xf32> to vector<16xf32>
        %swap3A_1197 = arith.index_cast %add3A_1161 : i32 to index
        %swap3A_1198 = arith.constant 0 : index
        %swap3A_1199 = tpu.vector_load %arg15[%swap3A_1197, %swap3A_1198] {strides = array<i32>} : memref<128x64xf32, #tpu.memory_space<vmem>>, vector<1x16xf32>,
        %swap3A_1200 = vector.shape_cast %swap3A_1199 : vector<1x16xf32> to vector<16xf32>
        %swap3A_1201 = vector.shape_cast %get3A_1196 : vector<16xf32> to vector<1x16xf32>
        tpu.vector_store %arg15[%swap3A_1197, %swap3A_1198], %swap3A_1201 {strides = array<i32>} : memref<128x64xf32, #tpu.memory_space<vmem>>, vector<1x16xf32>,
        %add3A_1202 = arith.constant 16 : i32
        %add3A_1203 = arith.addi %squeeze3A_1191, %add3A_1202 : i32
        %get3A_1204 = arith.index_cast %add3A_1203 : i32 to index
        %get3A_1205 = tpu.vector_load %arg16[%get3A_1204] {strides = array<i32>} : memref<64000xf32, #tpu.memory_space<vmem>>, vector<16xf32>,
        %get3A_1206 = vector.shape_cast %get3A_1205 : vector<16xf32> to vector<16xf32>
        %swap3A_1207 = arith.index_cast %add3A_1161 : i32 to index
        %swap3A_1208 = arith.constant 16 : index
        %swap3A_1209 = tpu.vector_load %arg15[%swap3A_1207, %swap3A_1208] {strides = array<i32>} : memref<128x64xf32, #tpu.memory_space<vmem>>, vector<1x16xf32>,
        %swap3A_1210 = vector.shape_cast %swap3A_1209 : vector<1x16xf32> to vector<16xf32>
        %swap3A_1211 = vector.shape_cast %get3A_1206 : vector<16xf32> to vector<1x16xf32>
        tpu.vector_store %arg15[%swap3A_1207, %swap3A_1208], %swap3A_1211 {strides = array<i32>} : memref<128x64xf32, #tpu.memory_space<vmem>>, vector<1x16xf32>,
        %add3A_1212 = arith.constant 32 : i32
        %add3A_1213 = arith.addi %squeeze3A_1191, %add3A_1212 : i32
        %get3A_1214 = arith.index_cast %add3A_1213 : i32 to index
        %get3A_1215 = tpu.vector_load %arg16[%get3A_1214] {strides = array<i32>} : memref<64000xf32, #tpu.memory_space<vmem>>, vector<16xf32>,
        %get3A_1216 = vector.shape_cast %get3A_1215 : vector<16xf32> to vector<16xf32>
        %swap3A_1217 = arith.index_cast %add3A_1161 : i32 to index
        %swap3A_1218 = arith.constant 32 : index
        %swap3A_1219 = tpu.vector_load %arg15[%swap3A_1217, %swap3A_1218] {strides = array<i32>} : memref<128x64xf32, #tpu.memory_space<vmem>>, vector<1x16xf32>,
        %swap3A_1220 = vector.shape_cast %swap3A_1219 : vector<1x16xf32> to vector<16xf32>
        %swap3A_1221 = vector.shape_cast %get3A_1216 : vector<16xf32> to vector<1x16xf32>
        tpu.vector_store %arg15[%swap3A_1217, %swap3A_1218], %swap3A_1221 {strides = array<i32>} : memref<128x64xf32, #tpu.memory_space<vmem>>, vector<1x16xf32>,
        %add3A_1222 = arith.constant 48 : i32
        %add3A_1223 = arith.addi %squeeze3A_1191, %add3A_1222 : i32
        %get3A_1224 = arith.index_cast %add3A_1223 : i32 to index
        %get3A_1225 = tpu.vector_load %arg16[%get3A_1224] {strides = array<i32>} : memref<64000xf32, #tpu.memory_space<vmem>>, vector<16xf32>,
        %get3A_1226 = vector.shape_cast %get3A_1225 : vector<16xf32> to vector<16xf32>
        %swap3A_1227 = arith.index_cast %add3A_1161 : i32 to index
        %swap3A_1228 = arith.constant 48 : index
        %swap3A_1229 = tpu.vector_load %arg15[%swap3A_1227, %swap3A_1228] {strides = array<i32>} : memref<128x64xf32, #tpu.memory_space<vmem>>, vector<1x16xf32>,
        %swap3A_1230 = vector.shape_cast %swap3A_1229 : vector<1x16xf32> to vector<16xf32>
        %swap3A_1231 = vector.shape_cast %get3A_1226 : vector<16xf32> to vector<1x16xf32>
        tpu.vector_store %arg15[%swap3A_1227, %swap3A_1228], %swap3A_1231 {strides = array<i32>} : memref<128x64xf32, #tpu.memory_space<vmem>>, vector<1x16xf32>,
      }
      %scan3A_18 = arith.constant 8 : i32
      %dma_wait3A = arith.constant 0 : i32
      %dma_wait3A_19 = arith.constant 0 : i32
      %dma_wait3A_20 = tpu.memref_slice %arg2[%dma_wait3A, %dma_wait3A_19] : memref<1000000x64xf32, #tpu.memory_space<hbm>> -> memref<128x64xf32, #tpu.memory_space<hbm>>
      %dma_wait3A_21 = arith.constant 0 : i32
      %dma_wait3A_22 = arith.constant 0 : i32
      %dma_wait3A_23 = tpu.memref_slice %arg2[%dma_wait3A_21, %dma_wait3A_22] : memref<1000000x64xf32, #tpu.memory_space<hbm>> -> memref<128x64xf32, #tpu.memory_space<hbm>>
      tpu.wait_dma2 semaphore(%arg17 : memref<!tpu.dma_semaphore, #tpu.memory_space<semaphore_mem>>) src(%dma_wait3A_23 : memref<128x64xf32, #tpu.memory_space<hbm>>) dst(%arg13 : memref<128x64xf32, #tpu.memory_space<vmem>>)
      %dma_wait3A_24 = arith.constant 0 : i32
      %dma_wait3A_25 = arith.constant 0 : i32
      %dma_wait3A_26 = tpu.memref_slice %arg2[%dma_wait3A_24, %dma_wait3A_25] : memref<1000000x64xf32, #tpu.memory_space<hbm>> -> memref<128x64xf32, #tpu.memory_space<hbm>>
      %dma_wait3A_27 = arith.constant 0 : i32
      %dma_wait3A_28 = arith.constant 0 : i32
      %dma_wait3A_29 = tpu.memref_slice %arg2[%dma_wait3A_27, %dma_wait3A_28] : memref<1000000x64xf32, #tpu.memory_space<hbm>> -> memref<128x64xf32, #tpu.memory_space<hbm>>
      tpu.wait_dma2 semaphore(%arg18 : memref<!tpu.dma_semaphore, #tpu.memory_space<semaphore_mem>>) src(%dma_wait3A_29 : memref<128x64xf32, #tpu.memory_space<hbm>>) dst(%arg14 : memref<128x64xf32, #tpu.memory_space<vmem>>)
      %add3A_30 = arith.addi %mul3A_2, %mul3A_13 : i32
      "tpu.region"() ({
        %run_scoped3A = tpu.sem_alloc : memref<!tpu.dma_semaphore, #tpu.memory_space<semaphore_mem>>
        %dma_start3A = arith.constant 0 : i32
        %dma_start3A_33 = tpu.memref_slice %arg7[%add3A_30, %dma_start3A] : memref<16384x64xf32, #tpu.memory_space<hbm>> -> memref<128x64xf32, #tpu.memory_space<hbm>>
        %dma_start3A_34 = arith.constant 0 : i32
        %dma_start3A_35 = tpu.memref_slice %arg7[%add3A_30, %dma_start3A_34] : memref<16384x64xf32, #tpu.memory_space<hbm>> -> memref<128x64xf32, #tpu.memory_space<hbm>>
        tpu.enqueue_dma source(%arg13 : memref<128x64xf32, #tpu.memory_space<vmem>>) target(%dma_start3A_35 : memref<128x64xf32, #tpu.memory_space<hbm>>) target_semaphore(%run_scoped3A : memref<!tpu.dma_semaphore, #tpu.memory_space<semaphore_mem>>)
        %dma_wait3A_36 = arith.constant 0 : i32
        %dma_wait3A_37 = tpu.memref_slice %arg7[%add3A_30, %dma_wait3A_36] : memref<16384x64xf32, #tpu.memory_space<hbm>> -> memref<128x64xf32, #tpu.memory_space<hbm>>
        %dma_wait3A_38 = arith.constant 0 : i32
        %dma_wait3A_39 = tpu.memref_slice %arg7[%add3A_30, %dma_wait3A_38] : memref<16384x64xf32, #tpu.memory_space<hbm>> -> memref<128x64xf32, #tpu.memory_space<hbm>>
        tpu.wait_dma2 semaphore(%run_scoped3A : memref<!tpu.dma_semaphore, #tpu.memory_space<semaphore_mem>>) src(%arg13 : memref<128x64xf32, #tpu.memory_space<vmem>>) dst(%dma_wait3A_39 : memref<128x64xf32, #tpu.memory_space<hbm>>)
        tpu.yield
      }) : () -> ()
      %add3A_31 = arith.addi %mul3A_2, %mul3A_13 : i32
      "tpu.region"() ({
        %run_scoped3A = tpu.sem_alloc : memref<!tpu.dma_semaphore, #tpu.memory_space<semaphore_mem>>
        %dma_start3A = arith.constant 0 : i32
        %dma_start3A_33 = tpu.memref_slice %arg9[%add3A_31, %dma_start3A] : memref<16384x64xf32, #tpu.memory_space<hbm>> -> memref<128x64xf32, #tpu.memory_space<hbm>>
        %dma_start3A_34 = arith.constant 0 : i32
        %dma_start3A_35 = tpu.memref_slice %arg9[%add3A_31, %dma_start3A_34] : memref<16384x64xf32, #tpu.memory_space<hbm>> -> memref<128x64xf32, #tpu.memory_space<hbm>>
        tpu.enqueue_dma source(%arg14 : memref<128x64xf32, #tpu.memory_space<vmem>>) target(%dma_start3A_35 : memref<128x64xf32, #tpu.memory_space<hbm>>) target_semaphore(%run_scoped3A : memref<!tpu.dma_semaphore, #tpu.memory_space<semaphore_mem>>)
        %dma_wait3A_36 = arith.constant 0 : i32
        %dma_wait3A_37 = tpu.memref_slice %arg9[%add3A_31, %dma_wait3A_36] : memref<16384x64xf32, #tpu.memory_space<hbm>> -> memref<128x64xf32, #tpu.memory_space<hbm>>
        %dma_wait3A_38 = arith.constant 0 : i32
        %dma_wait3A_39 = tpu.memref_slice %arg9[%add3A_31, %dma_wait3A_38] : memref<16384x64xf32, #tpu.memory_space<hbm>> -> memref<128x64xf32, #tpu.memory_space<hbm>>
        tpu.wait_dma2 semaphore(%run_scoped3A : memref<!tpu.dma_semaphore, #tpu.memory_space<semaphore_mem>>) src(%arg14 : memref<128x64xf32, #tpu.memory_space<vmem>>) dst(%dma_wait3A_39 : memref<128x64xf32, #tpu.memory_space<hbm>>)
        tpu.yield
      }) : () -> ()
      %add3A_32 = arith.addi %mul3A_2, %mul3A_13 : i32
      "tpu.region"() ({
        %run_scoped3A = tpu.sem_alloc : memref<!tpu.dma_semaphore, #tpu.memory_space<semaphore_mem>>
        %dma_start3A = arith.constant 0 : i32
        %dma_start3A_33 = tpu.memref_slice %arg8[%add3A_32, %dma_start3A] : memref<16384x64xf32, #tpu.memory_space<hbm>> -> memref<128x64xf32, #tpu.memory_space<hbm>>
        %dma_start3A_34 = arith.constant 0 : i32
        %dma_start3A_35 = tpu.memref_slice %arg8[%add3A_32, %dma_start3A_34] : memref<16384x64xf32, #tpu.memory_space<hbm>> -> memref<128x64xf32, #tpu.memory_space<hbm>>
        tpu.enqueue_dma source(%arg15 : memref<128x64xf32, #tpu.memory_space<vmem>>) target(%dma_start3A_35 : memref<128x64xf32, #tpu.memory_space<hbm>>) target_semaphore(%run_scoped3A : memref<!tpu.dma_semaphore, #tpu.memory_space<semaphore_mem>>)
        %dma_wait3A_36 = arith.constant 0 : i32
        %dma_wait3A_37 = tpu.memref_slice %arg8[%add3A_32, %dma_wait3A_36] : memref<16384x64xf32, #tpu.memory_space<hbm>> -> memref<128x64xf32, #tpu.memory_space<hbm>>
        %dma_wait3A_38 = arith.constant 0 : i32
        %dma_wait3A_39 = tpu.memref_slice %arg8[%add3A_32, %dma_wait3A_38] : memref<16384x64xf32, #tpu.memory_space<hbm>> -> memref<128x64xf32, #tpu.memory_space<hbm>>
        tpu.wait_dma2 semaphore(%run_scoped3A : memref<!tpu.dma_semaphore, #tpu.memory_space<semaphore_mem>>) src(%arg15 : memref<128x64xf32, #tpu.memory_space<vmem>>) dst(%dma_wait3A_39 : memref<128x64xf32, #tpu.memory_space<hbm>>)
        tpu.yield
      }) : () -> ()
    }
    %scan3A_6 = arith.constant 4 : i32
    return
  }
}

</mosaic_0001>

<sc_bundles>
// kernel: kernel.3.cloned.1.call-start
scs
__scs_entry_jumppad:
0x0: {  	(pc) =	sbr.rel $0x88, $3  }
0x1: {  	(tag) =	ssettag $0x0;
	lr =	simm.s32 $0x1  }
0x2: {  	[smem:$0x3F9E] =	sst lr;
	_ =	strace $0xD0000000  }
0x3: {  	_ = 	snop  }
0x4: {  	_ = 	snop  }
0x5: {  	_ = 	snop  }
0x6: {  	_ = 	snop  }
0x7: {  	_ = 	snop  }
__scs_overlays_trampoline_lowered:
0x8: {  	[smem:$0x3FAD] =	sst s0  }
0x9: {  	[smem:$0x3FAE] =	sst s1  }
0xa: {  	[smem:$0x3FAF] =	sst s2  }
0xb: {  	[smem:$0x3FB0] =	sst s3  }
0xc: {  	[smem:$0x3FB1] =	sst s4  }
0xd: {  	[smem:$0x3FB2] =	sst s5  }
0xe: {  	[smem:$0x3FB3] =	sst s6  }
0xf: {  	[smem:$0x3FB4] =	sst s7  }
0x10: {  	[smem:$0x3FB5] =	sst s8  }
0x11: {  	[smem:$0x3FB6] =	sst s9;
	s0 =	simm.s32 @!p0 $0x0  }
0x12: {  	s1 =	sld [smem:$0x3F9C];
	s0 =	simm.s32 @p0 $0x1  }
0x13: {  	[smem:$0x3FB7] =	sst s0;
	s0 =	simm.s32 @!p1 $0x0  }
0x14: {  	s2 =	sld [smem:$0x3F9B];
	s0 =	simm.s32 @p1 $0x1  }
0x15: {  	[smem:$0x3FB8] =	sst s0;
	s0 =	simm.s32 @!p2 $0x0  }
0x16: {  	s3 =	sld [smem:$0x3FDB];
	s0 =	simm.s32 @p2 $0x1  }
0x17: {  	s4 =	simm.s32 $0x1BF5;
	[smem:$0x3FBA] =	sst s0  }
0x18: {  	s0 =	sld [smem:$0x3F9D];
	_ =	swait.ge [sflag:s4], $0x0  }
0x19: {  	s7 =	sld [smem:$0x3F9E]  }
0x1a: {  	s8 =	sadd.s32 $0xFFFFE003, lr  }
0x1b: {  	s9 =	sadd.s32 $0xFFFFFEF7, lr;
	s5 =	simm.s32 $0xFFFFFFFF;
	p2 =	slt.u32 s8, $0xFFFFF086  }
0x1c: {  	p1 =	slt.u32 s9, $0xF7A;
	s5 =	simm.s32 @!p2 $0x0  }
0x1d: {  	s5 =	simm.s32 @p1 $0x1;
	p0 =	seq.s32 s7, s2  }
0x1e: {  	s7 =	smul.u32 @!p0 $0xF7A, s2;
	p2 =	seq.s32 @!p0 s5, $0x0  }
0x1f: {  	s9 =	smul.u32 $0xF7A, s1;
	s8 =	simm.s32 @!p0 $0x1BF5;
	p2 =	por !p2, p0  }
0x20: {  	[sflag:s8] =	ssyncset.s32 @!p0 $0xFFFFF086;
	s6 =	sadd.s32 @!p0 s3, s7;
	s7 =	simm.s32 @!p0 $0x108  }
0x21: {  	s3 =	sadd.s32 s3, s9;
	s6 =	sadd.s32 @!p0 $0x88, s6;
	s7 =	simm.s32 @p2 $0x1082  }
0x22: {  	[simem:s7], [sflag:s8] =	dma.local @!p0 [hbm:s6], $0xF7A  }
0x23: {  	s9 =	sor.u32 $0xD0000000, s2;
	s6 =	simm.s32 $0x108;
	_ =	swait.ge @!p0 [sflag:s8], $0x0  }
0x24: {  	s3 =	sadd.s32 $0x88, s3;
	s6 =	simm.s32 @!p1 $0x1082;
	[sflag:s4] =	ssyncset.s32 $0xFFFFF086  }
0x25: {  	[simem:s6], [sflag:s4] =	dma.local [hbm:s3], $0xF7A  }
0x26: {  	[smem:$0x3F9E] =	sst s1;
	(tag) =	ssettag s2;
	_ =	strace s9  }
0x27: {  	s1 =	sld [smem:$0x3FAE]  }
0x28: {  	s2 =	sld [smem:$0x3FAF]  }
0x29: {  	s4 =	sld [smem:$0x3FB1]  }
0x2a: {  	p0 =	seq.s32 s5, $0x0;
	s5 =	sld [smem:$0x3FB2]  }
0x2b: {  	s6 =	sld [smem:$0x3FB3]  }
0x2c: {  	s7 =	sld [smem:$0x3FB4]  }
0x2d: {  	s3 =	simm.s32 $0x108;
	s8 =	sld [smem:$0x3FB5]  }
0x2e: {  	s3 =	simm.s32 @!p0 $0x1082;
	s9 =	sld [smem:$0x3FB6]  }
0x2f: {  	lr =	sadd.s32 s0, s3;
	s0 =	sld [smem:$0x3FAD]  }
0x30: {  	s3 =	sld [smem:$0x3FB0]  }
0x31: {  	[smem:$0x3FB9] =	sst s10  }
0x32: {  	s10 =	sld [smem:$0x3FB7];
	_ =	sdelay $0x3  }
0x33: {  	p0 =	seq.s32 s10, $0x1;
	s10 =	sld [smem:$0x3FB9];
	_ =	sdelay $0x3  }
0x34: {  	[smem:$0x3FB9] =	sst s10  }
0x35: {  	s10 =	sld [smem:$0x3FB8];
	_ =	sdelay $0x3  }
0x36: {  	p1 =	seq.s32 s10, $0x1;
	s10 =	sld [smem:$0x3FB9];
	_ =	sdelay $0x3  }
0x37: {  	[smem:$0x3FB9] =	sst s10  }
0x38: {  	s10 =	sld [smem:$0x3FBA]  }
0x39: {  	_ = 	snop;
	(pc) =	sbr.ind lr, $3  }
0x3a: {  	_ = 	snop  }
0x3b: {  	_ = 	snop  }
0x3c: {  	p2 =	seq.s32 s10, $0x1;
	s10 =	sld [smem:$0x3FB9]  }
0x3d: {  	_ =	shalt  }
0x3e: {  	_ =	shalt  }
0x3f: {  	_ =	shalt  }
0x40: {  	_ =	shalt  }
0x41: {  	_ =	shalt  }
0x42: {  	_ =	shalt  }
0x43: {  	_ =	shalt  }
0x44: {  	_ =	shalt  }
0x45: {  	_ =	shalt  }
0x46: {  	_ =	shalt  }
0x47: {  	_ =	shalt  }
0x48: {  	_ =	shalt  }
0x49: {  	_ =	shalt  }
0x4a: {  	_ =	shalt  }
0x4b: {  	_ =	shalt  }
0x4c: {  	_ =	shalt  }
0x4d: {  	_ =	shalt  }
0x4e: {  	_ =	shalt  }
0x4f: {  	_ =	shalt  }
0x50: {  	_ =	shalt  }
0x51: {  	_ =	shalt  }
0x52: {  	_ =	shalt  }
0x53: {  	_ =	shalt  }
0x54: {  	_ =	shalt  }
0x55: {  	_ =	shalt  }
0x56: {  	_ =	shalt  }
0x57: {  	_ =	shalt  }
0x58: {  	_ =	shalt  }
0x59: {  	_ =	shalt  }
0x5a: {  	_ =	shalt  }
0x5b: {  	_ =	shalt  }
0x5c: {  	_ =	shalt  }
0x5d: {  	_ =	shalt  }
0x5e: {  	_ =	shalt  }
0x5f: {  	_ =	shalt  }
0x60: {  	_ =	shalt  }
0x61: {  	_ =	shalt  }
0x62: {  	_ =	shalt  }
0x63: {  	_ =	shalt  }
0x64: {  	_ =	shalt  }
0x65: {  	_ =	shalt  }
0x66: {  	_ =	shalt  }
0x67: {  	_ =	shalt  }
0x68: {  	_ =	shalt  }
0x69: {  	_ =	shalt  }
0x6a: {  	_ =	shalt  }
0x6b: {  	_ =	shalt  }
0x6c: {  	_ =	shalt  }
0x6d: {  	_ =	shalt  }
0x6e: {  	_ =	shalt  }
0x6f: {  	_ =	shalt  }
0x70: {  	_ =	shalt  }
0x71: {  	_ =	shalt  }
0x72: {  	_ =	shalt  }
0x73: {  	_ =	shalt  }
0x74: {  	_ =	shalt  }
0x75: {  	_ =	shalt  }
0x76: {  	_ =	shalt  }
0x77: {  	_ =	shalt  }
0x78: {  	_ =	shalt  }
0x79: {  	_ =	shalt  }
0x7a: {  	_ =	shalt  }
0x7b: {  	_ =	shalt  }
0x7c: {  	_ =	shalt  }
0x7d: {  	_ =	shalt  }
0x7e: {  	_ =	shalt  }
0x7f: {  	_ =	shalt  }
0x80: {  	_ =	shalt  }
0x81: {  	_ =	shalt  }
0x82: {  	_ =	shalt  }
0x83: {  	_ =	shalt  }
0x84: {  	_ =	shalt  }
0x85: {  	_ =	shalt  }
0x86: {  	_ =	shalt  }
0x87: {  	_ =	shalt  }
.Lfunc_end0:
.L_simem_size_0:
called_computation_lowered:
.L_overlay_start_0:
0x88: {  	s2 =	sld [smem:$0x3FD9]  }
0x89: {  	s3 =	sld [smem:$0x3FFE];
	_ =	sdelay $0x1  }
0x8a: {  	s1 =	srdreg.scid  }
0x8b: {  	s0 =	sand.u32 $0x1, s1  }
0x8c: {  	s14 =	sshll.u32 s0, $0xA;
	s2 =	sadd.s32 s3, s2  }
0x8d: {  	s2 =	sadd.s32 s2, s14  }
0x8e: {  	[smem:$0x3FC5] =	sst s2  }
0x8f: {  	_ = 	snop  }
0x90: {  	s2 =	sld [smem:$0x3FD0];
	_ =	sdelay $0x2  }
0x91: {  	s15 =	simm.s32 $0xA;
	s4 =	simm.s32 $0x10  }
0x92: {  	[smem:s4], [sflag:s15] =	dma.local [hbm:s2], $0x1  }
0x93: {  	_ =	swait.eq [sflag:s15], $0x1  }
0x94: {  	s16 =	sld [smem:$0x10];
	[sflag:s15] =	ssyncset.done $0x0  }
0x95: {  	s17 =	sld [smem:$0x11];
	[sflag:s15] =	ssyncadd.s32 $0xFFFFFFFF  }
0x96: {  	s18 =	sld [smem:$0x12];
	(tm) =	ssettm $0x1  }
0x97: {  	s5 =	sld [smem:$0x3FFB];
	_ =	sdelay $0x3  }
0x98: {  	_ =	strace s5  }
0x99: {  	s5 =	sld [smem:$0x3FFC];
	_ =	sdelay $0x3  }
0x9a: {  	_ =	strace s5  }
0x9b: {  	s5 =	sld [smem:$0x3FFD];
	_ =	sdelay $0x3  }
0x9c: {  	_ =	strace s5  }
0x9d: {  	_ =	strace $0x8FFFFFFF  }
0x9e: {  	s19 =	sld [smem:$0x3FDB];
	_ =	sdelay $0x1  }
0x9f: {  	s6 =	simm.s32 $_scs_section_size  }
0xa0: {  	s7 =	simm.s32 $_size__tile_overlayer_lowered;
	s8 =	simm.s32 $_tile_overlayer_lowered  }
0xa1: {  	s22 =	simm.s32 $0x1BFF;
	s21 =	sshll.u32 s8, $0x1;
	s5 =	sadd.s32 s6, s19  }
0xa2: {  	s9 =	simm.s32 $0x0;
	s20 =	sshll.u32 s7, $0x1;
	s7 =	sadd.s32 s21, s5  }
0xa3: {  	[timem:s9], [sflag:s22] =	dma.local [hbm:s7], s20  }
0xa4: {  	_ =	swait.ge [sflag:s22], s20  }
0xa5: {  	s6 =	ssub.s32 $0x0, s20;
	[sflag:s22] =	ssyncset.done $0x0  }
0xa6: {  	[sflag:s22] =	ssyncadd.s32 s6;
	_ =	sdelay $0x1  }
0xa7: {  	s23 =	simm.s32 $0x1B8B  }
0xa8: {  	_ =	swait.ge [sflag:s23], $0x1  }
0xa9: {  	[sflag:s23] =	ssyncset.done $0x0  }
0xaa: {  	s25 =	simm.s32 $0x1B8E;
	s24 =	sld [smem:$0x3FFE];
	[sflag:s23] =	ssyncadd.s32 $0xFFFFFFFF  }
0xab: {  	s26 =	simm.s32 $execute0_lowered;
	[smem:$0x3FD2] =	sst s25  }
0xac: {  	s7 =	sshll.u32 s26, $0x1;
	_ =	strace $0x80000046;
	[dreg:$0x1] =	wrdreg $0xFFFFFFFF  }
0xad: {  	s28 =	simm.s32 $_size_execute0_lowered;
	s5 =	sadd.s32 s5, s7;
	[dreg:$0x0] =	wrdreg $0x0  }
0xae: {  	s7 =	sshll.u32 s28, $0x1;
	[dreg:$0x2] =	wrdreg s5  }
0xaf: {  	[dreg:$0x3] =	wrdreg s7  }
0xb0: {  	[dreg:$0x4] =	wrdreg $0xC0  }
0xb1: {  	_ =	task [dreg:s9], $0x5FFFF  }
0xb2: {  	[dreg:$0x1] =	wrdreg $0xFFFFFFFF  }
0xb3: {  	[dreg:$0x0] =	wrdreg $0x60  }
0xb4: {  	[dreg:$0x2] =	wrdreg s24  }
0xb5: {  	[dreg:$0x3] =	wrdreg s18  }
0xb6: {  	[dreg:$0x4] =	wrdreg s16  }
0xb7: {  	[dreg:$0x5] =	wrdreg s17  }
0xb8: {  	[dreg:$0x6] =	wrdreg $0x9  }
0xb9: {  	_ =	task.clear_ibuf [dreg:s9], $0x7FFFF;
	_ =	strace $0x90000046  }
0xba: {  	s29 =	simm.s32 $0x9;
	_ =	strace $0x80000048  }
0xbb: {  	_ =	swait.ge [sflag:s29], $0x1  }
0xbc: {  	[sflag:s29] =	ssyncadd.s32 $0xFFFFFFFF  }
0xbd: {  	_ =	strace $0x90000048  }
0xbe: {  	_ =	sfence  }
0xbf: {  	s30 =	sld [smem:$0x0];
	_ =	sdelay $0x2  }
0xc0: {  	s31 =	sshll.u32 s1, $0xD;
	s1 =	sshrl.u32 s1, $0x2  }
0xc1: {  	s3 =	sand.u32 $0x4000, s31;
	s1 =	sadd.s32 s1, s30  }
0xc2: {  	s0 =	sor.u32 s3, s0;
	s1 =	sshll.u32 s1, $0x11  }
0xc3: {  	s0 =	sor.u32 s1, s0  }
0xc4: {  	s0 =	sadd.s32 $0x8F2B, s0  }
0xc5: {  	[sflag:s0] =	ssyncadd.remote.s32 $0x1  }
0xc6: {  	_ =	sfence.sel $0xFFFF  }
0xc7: {  	[dreg:$0x0] =	wrdreg $0xFFFFFFFF;
	(pc) =	sbr.abs _section_cstart, $3  }
0xc8: {  	[dreg:$0x1] =	wrdreg $0xFFFFFFFF  }
0xc9: {  	_ =	task.clear_ibuf [dreg:s9], $0x2FFFF;
	_ =	strace $0x9FFFFFFF  }
0xca: {  	(tm) =	ssettm $0x7FFFFFFF  }
0xcb: {  	_ =	shalt  }
tec
execute0_lowered:
.L_overlay_start_1:
0x0: {  	(tag) =	ssettag $0x1  }
0x1: {  	s8 =	rddreg [dreg:$0x0]  }
0x2: {  	s1 =	rddreg [dreg:$0x1]  }
0x3: {  	s11 =	rddreg [dreg:$0x2]  }
0x4: {  	s10 =	rddreg [dreg:$0x3]  }
0x5: {  	s4 =	srdreg.scid;
	s3 =	simm.s32 $0x0;
	s0 =	stileid.u32  }
0x6: {  	s15 =	simm.s32 $0x1;
	s16 =	simm.s32 $0x2;
	s17 =	simm.s32 $0x600  }
0x7: {  	s18 =	simm.s32 $0x4600;
	s19 =	simm.s32 $0x8600;
	s20 =	simm.s32 $0x0  }
0x8: {  	s6 =	sand.u32 $0x1, s4;
	[smem:$0x7FF] =	sst s3;
	s31 =	sshll.u32 s0, $0xA  }
0x9: {  	s7 =	sadd.s32 $0xF84000, s8;
	s5 =	sshll.u32 s6, $0x9;
	_ =	strace $0x80000047  }
0xa: {  	s9 =	ssub.s32 $0x2, s6;
	s6 =	sadd.s32 $0xF44000, s8;
	s4 =	sor.u32 s5, s31  }
0xb: {  	s5 =	sadd.s32 $0x1C00, s8;
	s14 =	sshrl.u32 s9, $0x1;
	s12 =	sshrl.u32 s4, $0x3  }
0xc: {  	s14 =	ssub.s32 s9, s14;
	s13 =	sadd.s32 s12, s8;
	s8 =	sadd.s32 $0xFC4000, s8  }
0xd: {  	s10 =	sadd.s32 s10, s12;
	s11 =	sadd.s32 s11, s12;
	s12 =	smax.u32 s14, $0x1  }
0xe: {  	s14 =	simm.s32 $0xC600;
	s9 =	sadd.s32 $0x1400, s13;
	s13 =	simm.s32 $0x3  }
.LBB2_1:
0xf: {  	[tilespmem:s3], [sflag:$0x3] =	stream.linear.gather [hbm4b:s9+s3], $0x200, $0x38;
	[tilespmem:$0x1C000] =	vst v63  }
0x10: {  	_ =	swait.ge [sflag:s13], $0x200  }
0x11: {  	[sflag:s13] =	ssyncset.done $0x0  }
0x12: {  	s21 =	simm.s32 $0x200;
	[sflag:s13] =	ssyncadd.s32 $0xFFFFFE00  }
0x13: {  	[tilespmem:s21], [sflag:$0x3] =	stream.linear.gather [hbm4b:s10+s3], $0x200, $0x38;
	[tilespmem:$0x1C000] =	vst v63  }
0x14: {  	_ =	swait.ge [sflag:s13], $0x200  }
0x15: {  	[sflag:s13] =	ssyncset.done $0x0  }
0x16: {  	s22 =	simm.s32 $0x400;
	[sflag:s13] =	ssyncadd.s32 $0xFFFFFE00  }
0x17: {  	[tilespmem:s22], [sflag:$0x3] =	stream.linear.gather [hbm4b:s11+s3], $0x200, $0x38;
	[tilespmem:$0x1C000] =	vst v63  }
0x18: {  	_ =	swait.ge [sflag:s13], $0x200  }
0x19: {  	[sflag:s13] =	ssyncset.done $0x0  }
0x1a: {  	[sflag:s13] =	ssyncadd.s32 $0xFFFFFE00  }
0x1b: {  	[tilespmem:s14], [sflag:$0x3] =	stream.linear.gather [hbm4b:s1+s3], $0xFA00, $0x38;
	[tilespmem:$0x1C000] =	vst v63  }
0x1c: {  	_ =	swait.ge [sflag:s13], $0xFA00  }
0x1d: {  	[sflag:s13] =	ssyncset.done $0x0  }
0x1e: {  	s23 =	simm.s32 $0x0;
	s24 =	simm.s32 $0x0;
	[sflag:s13] =	ssyncadd.s32 $0xFFFF0600  }
.LBB2_2:
0x1f: {  	s25 =	sshll.u32 s24, $0x7;
	s26 =	simm.s32 $0x0  }
0x20: {  	s28 =	smov.u32 s22;
	s29 =	smov.u32 s21;
	s30 =	smov.u32 s23  }
.LBB2_3:
0x21: {  	v0 =	vld [tilespmem:s30+$0x0];
	_ =	sdelay $0x3  }
0x22: {  	v1 =	vld [tilespmem:s29+$0x0]  }
0x23: {  	v0 =	vshll.u32 v0, $0x4  }
0x24: {  	(v2sf) =	vpush v0, $0x0;
	_ =	sdelay $0x1  }
0x25: {  	v3 =	vld [tilespmem:s28+$0x0]  }
0x26: {  	v2 =	vshll.u32 v1, $0x4  }
0x27: {  	(v2sf) =	vpush v2, $0x0;
	_ =	sdelay $0x2  }
0x28: {  	v61 =	vshll.u32 v3, $0x6  }
0x29: {  	(v2sf) =	vpush v61, $0x0;
	_ =	sdelay $0x6  }
0x2a: {  	s0 =	spop (v2sf)  }
0x2b: {  	s31 =	sshra.s32 s26, $0x2;
	s0 =	sand.u32 $0x1FFFFFF0, s0  }
0x2c: {  	s2 =	sadd.s32 $0x600, s31;
	s0 =	sadd.s32 s5, s0  }
0x2d: {  	[tilespmem:s2], [sflag:$0x1] =	stream.linear.gather [hbm4b:s0+s3], $0x80, $0x38;
	[tilespmem:$0x1C000] =	vst v63  }
0x2e: {  	s2 =	spop (v2sf)  }
0x2f: {  	s0 =	sand.u32 $0x1FFFFFF0, s2  }
0x30: {  	s2 =	sadd.s32 $0x4600, s31;
	s0 =	sadd.s32 s5, s0  }
0x31: {  	[tilespmem:s2], [sflag:$0x2] =	stream.linear.gather [hbm4b:s0+s3], $0x80, $0x38;
	[tilespmem:$0x1C000] =	vst v63  }
0x32: {  	s2 =	spop (v2sf)  }
0x33: {  	v62 =	vld [tilespmem:s2+$0xC600];
	_ =	sdelay $0x4  }
0x34: {  	[tilespmem:s31+$0x8600] =	vst v62  }
0x35: {  	(v2sf) =	vpush v0, $0x1;
	v3 =	vld [tilespmem:s2+$0xC610];
	_ =	sdelay $0x3  }
0x36: {  	(v2sf) =	vpush v2, $0x1  }
0x37: {  	[tilespmem:s31+$0x8610] =	vst v3  }
0x38: {  	v3 =	vld [tilespmem:s2+$0xC620];
	_ =	sdelay $0x1  }
0x39: {  	(v2sf) =	vpush v61, $0x1;
	_ =	sdelay $0x2  }
0x3a: {  	[tilespmem:s31+$0x8620] =	vst v3  }
0x3b: {  	v3 =	vld [tilespmem:s2+$0xC630];
	_ =	sdelay $0x2  }
0x3c: {  	s2 =	spop (v2sf)  }
0x3d: {  	s0 =	sand.u32 $0x1FFFFFF0, s2  }
0x3e: {  	s2 =	sadd.s32 $0x680, s31;
	s0 =	sadd.s32 s5, s0;
	[tilespmem:s31+$0x8630] =	vst v3  }
0x3f: {  	[tilespmem:s2], [sflag:$0x1] =	stream.linear.gather [hbm4b:s0+s3], $0x80, $0x38;
	[tilespmem:$0x1C000] =	vst v63  }
0x40: {  	s2 =	spop (v2sf)  }
0x41: {  	s0 =	sand.u32 $0x1FFFFFF0, s2  }
0x42: {  	s2 =	sadd.s32 $0x4680, s31;
	s0 =	sadd.s32 s5, s0  }
0x43: {  	[tilespmem:s2], [sflag:$0x2] =	stream.linear.gather [hbm4b:s0+s3], $0x80, $0x38;
	[tilespmem:$0x1C000] =	vst v63  }
0x44: {  	s2 =	spop (v2sf)  }
0x45: {  	v3 =	vld [tilespmem:s2+$0xC600];
	_ =	sdelay $0x4  }
0x46: {  	[tilespmem:s31+$0x8680] =	vst v3  }
0x47: {  	(v2sf) =	vpush v0, $0x2;
	v3 =	vld [tilespmem:s2+$0xC610];
	_ =	sdelay $0x3  }
0x48: {  	(v2sf) =	vpush v2, $0x2  }
0x49: {  	[tilespmem:s31+$0x8690] =	vst v3  }
0x4a: {  	v3 =	vld [tilespmem:s2+$0xC620];
	_ =	sdelay $0x1  }
0x4b: {  	(v2sf) =	vpush v61, $0x2;
	_ =	sdelay $0x2  }
0x4c: {  	[tilespmem:s31+$0x86A0] =	vst v3  }
0x4d: {  	v3 =	vld [tilespmem:s2+$0xC630];
	_ =	sdelay $0x2  }
0x4e: {  	s2 =	spop (v2sf)  }
0x4f: {  	s0 =	sand.u32 $0x1FFFFFF0, s2  }
0x50: {  	s2 =	sadd.s32 $0x700, s31;
	s0 =	sadd.s32 s5, s0;
	[tilespmem:s31+$0x86B0] =	vst v3  }
0x51: {  	[tilespmem:s2], [sflag:$0x1] =	stream.linear.gather [hbm4b:s0+s3], $0x80, $0x38;
	[tilespmem:$0x1C000] =	vst v63  }
0x52: {  	s2 =	spop (v2sf)  }
0x53: {  	s0 =	sand.u32 $0x1FFFFFF0, s2  }
0x54: {  	s2 =	sadd.s32 $0x4700, s31;
	s0 =	sadd.s32 s5, s0  }
0x55: {  	[tilespmem:s2], [sflag:$0x2] =	stream.linear.gather [hbm4b:s0+s3], $0x80, $0x38;
	[tilespmem:$0x1C000] =	vst v63  }
0x56: {  	s2 =	spop (v2sf)  }
0x57: {  	v3 =	vld [tilespmem:s2+$0xC600];
	_ =	sdelay $0x4  }
0x58: {  	[tilespmem:s31+$0x8700] =	vst v3  }
0x59: {  	(v2sf) =	vpush v0, $0x3;
	v3 =	vld [tilespmem:s2+$0xC610];
	_ =	sdelay $0x3  }
0x5a: {  	(v2sf) =	vpush v2, $0x3  }
0x5b: {  	[tilespmem:s31+$0x8710] =	vst v3  }
0x5c: {  	v3 =	vld [tilespmem:s2+$0xC620];
	_ =	sdelay $0x1  }
0x5d: {  	(v2sf) =	vpush v61, $0x3;
	_ =	sdelay $0x2  }
0x5e: {  	[tilespmem:s31+$0x8720] =	vst v3  }
0x5f: {  	v3 =	vld [tilespmem:s2+$0xC630];
	_ =	sdelay $0x2  }
0x60: {  	s2 =	spop (v2sf)  }
0x61: {  	s0 =	sand.u32 $0x1FFFFFF0, s2  }
0x62: {  	s2 =	sadd.s32 $0x780, s31;
	s0 =	sadd.s32 s5, s0;
	[tilespmem:s31+$0x8730] =	vst v3  }
0x63: {  	[tilespmem:s2], [sflag:$0x1] =	stream.linear.gather [hbm4b:s0+s3], $0x80, $0x38;
	[tilespmem:$0x1C000] =	vst v63  }
0x64: {  	s2 =	spop (v2sf)  }
0x65: {  	s0 =	sand.u32 $0x1FFFFFF0, s2  }
0x66: {  	s2 =	sadd.s32 $0x4780, s31;
	s0 =	sadd.s32 s5, s0  }
0x67: {  	[tilespmem:s2], [sflag:$0x2] =	stream.linear.gather [hbm4b:s0+s3], $0x80, $0x38;
	[tilespmem:$0x1C000] =	vst v63  }
0x68: {  	s2 =	spop (v2sf)  }
0x69: {  	v3 =	vld [tilespmem:s2+$0xC600];
	_ =	sdelay $0x4  }
0x6a: {  	[tilespmem:s31+$0x8780] =	vst v3  }
0x6b: {  	(v2sf) =	vpush v0, $0x4;
	v3 =	vld [tilespmem:s2+$0xC610];
	_ =	sdelay $0x3  }
0x6c: {  	(v2sf) =	vpush v2, $0x4  }
0x6d: {  	[tilespmem:s31+$0x8790] =	vst v3  }
0x6e: {  	v3 =	vld [tilespmem:s2+$0xC620];
	_ =	sdelay $0x1  }
0x6f: {  	(v2sf) =	vpush v61, $0x4;
	_ =	sdelay $0x2  }
0x70: {  	[tilespmem:s31+$0x87A0] =	vst v3  }
0x71: {  	v3 =	vld [tilespmem:s2+$0xC630];
	_ =	sdelay $0x2  }
0x72: {  	s2 =	spop (v2sf)  }
0x73: {  	s0 =	sand.u32 $0x1FFFFFF0, s2  }
0x74: {  	s2 =	sadd.s32 $0x800, s31;
	s0 =	sadd.s32 s5, s0;
	[tilespmem:s31+$0x87B0] =	vst v3  }
0x75: {  	[tilespmem:s2], [sflag:$0x1] =	stream.linear.gather [hbm4b:s0+s3], $0x80, $0x38;
	[tilespmem:$0x1C000] =	vst v63  }
0x76: {  	s2 =	spop (v2sf)  }
0x77: {  	s0 =	sand.u32 $0x1FFFFFF0, s2  }
0x78: {  	s2 =	sadd.s32 $0x4800, s31;
	s0 =	sadd.s32 s5, s0  }
0x79: {  	[tilespmem:s2], [sflag:$0x2] =	stream.linear.gather [hbm4b:s0+s3], $0x80, $0x38;
	[tilespmem:$0x1C000] =	vst v63  }
0x7a: {  	s2 =	spop (v2sf)  }
0x7b: {  	v3 =	vld [tilespmem:s2+$0xC600];
	_ =	sdelay $0x4  }
0x7c: {  	[tilespmem:s31+$0x8800] =	vst v3  }
0x7d: {  	(v2sf) =	vpush v0, $0x5;
	v3 =	vld [tilespmem:s2+$0xC610];
	_ =	sdelay $0x3  }
0x7e: {  	(v2sf) =	vpush v2, $0x5  }
0x7f: {  	[tilespmem:s31+$0x8810] =	vst v3  }
0x80: {  	v3 =	vld [tilespmem:s2+$0xC620];
	_ =	sdelay $0x1  }
0x81: {  	(v2sf) =	vpush v61, $0x5;
	_ =	sdelay $0x2  }
0x82: {  	[tilespmem:s31+$0x8820] =	vst v3  }
0x83: {  	v3 =	vld [tilespmem:s2+$0xC630];
	_ =	sdelay $0x2  }
0x84: {  	s2 =	spop (v2sf)  }
0x85: {  	s0 =	sand.u32 $0x1FFFFFF0, s2  }
0x86: {  	s2 =	sadd.s32 $0x880, s31;
	s0 =	sadd.s32 s5, s0;
	[tilespmem:s31+$0x8830] =	vst v3  }
0x87: {  	[tilespmem:s2], [sflag:$0x1] =	stream.linear.gather [hbm4b:s0+s3], $0x80, $0x38;
	[tilespmem:$0x1C000] =	vst v63  }
0x88: {  	s2 =	spop (v2sf)  }
0x89: {  	s0 =	sand.u32 $0x1FFFFFF0, s2  }
0x8a: {  	s2 =	sadd.s32 $0x4880, s31;
	s0 =	sadd.s32 s5, s0  }
0x8b: {  	[tilespmem:s2], [sflag:$0x2] =	stream.linear.gather [hbm4b:s0+s3], $0x80, $0x38;
	[tilespmem:$0x1C000] =	vst v63  }
0x8c: {  	s2 =	spop (v2sf)  }
0x8d: {  	v3 =	vld [tilespmem:s2+$0xC600];
	_ =	sdelay $0x4  }
0x8e: {  	[tilespmem:s31+$0x8880] =	vst v3  }
0x8f: {  	(v2sf) =	vpush v0, $0x6;
	v3 =	vld [tilespmem:s2+$0xC610];
	_ =	sdelay $0x3  }
0x90: {  	(v2sf) =	vpush v2, $0x6  }
0x91: {  	[tilespmem:s31+$0x8890] =	vst v3  }
0x92: {  	v3 =	vld [tilespmem:s2+$0xC620];
	_ =	sdelay $0x1  }
0x93: {  	(v2sf) =	vpush v61, $0x6;
	_ =	sdelay $0x2  }
0x94: {  	[tilespmem:s31+$0x88A0] =	vst v3  }
0x95: {  	v3 =	vld [tilespmem:s2+$0xC630];
	_ =	sdelay $0x2  }
0x96: {  	s2 =	spop (v2sf)  }
0x97: {  	s0 =	sand.u32 $0x1FFFFFF0, s2  }
0x98: {  	s2 =	sadd.s32 $0x900, s31;
	s0 =	sadd.s32 s5, s0;
	[tilespmem:s31+$0x88B0] =	vst v3  }
0x99: {  	[tilespmem:s2], [sflag:$0x1] =	stream.linear.gather [hbm4b:s0+s3], $0x80, $0x38;
	[tilespmem:$0x1C000] =	vst v63  }
0x9a: {  	s2 =	spop (v2sf)  }
0x9b: {  	s0 =	sand.u32 $0x1FFFFFF0, s2  }
0x9c: {  	s2 =	sadd.s32 $0x4900, s31;
	s0 =	sadd.s32 s5, s0  }
0x9d: {  	[tilespmem:s2], [sflag:$0x2] =	stream.linear.gather [hbm4b:s0+s3], $0x80, $0x38;
	[tilespmem:$0x1C000] =	vst v63  }
0x9e: {  	s2 =	spop (v2sf)  }
0x9f: {  	v3 =	vld [tilespmem:s2+$0xC600];
	_ =	sdelay $0x4  }
0xa0: {  	[tilespmem:s31+$0x8900] =	vst v3  }
0xa1: {  	(v2sf) =	vpush v0, $0x7;
	v3 =	vld [tilespmem:s2+$0xC610];
	_ =	sdelay $0x3  }
0xa2: {  	(v2sf) =	vpush v2, $0x7  }
0xa3: {  	[tilespmem:s31+$0x8910] =	vst v3  }
0xa4: {  	v3 =	vld [tilespmem:s2+$0xC620];
	_ =	sdelay $0x1  }
0xa5: {  	(v2sf) =	vpush v61, $0x7;
	_ =	sdelay $0x2  }
0xa6: {  	[tilespmem:s31+$0x8920] =	vst v3  }
0xa7: {  	v3 =	vld [tilespmem:s2+$0xC630];
	_ =	sdelay $0x2  }
0xa8: {  	s2 =	spop (v2sf)  }
0xa9: {  	s0 =	sand.u32 $0x1FFFFFF0, s2  }
0xaa: {  	s2 =	sadd.s32 $0x980, s31;
	s0 =	sadd.s32 s5, s0;
	[tilespmem:s31+$0x8930] =	vst v3  }
0xab: {  	[tilespmem:s2], [sflag:$0x1] =	stream.linear.gather [hbm4b:s0+s3], $0x80, $0x38;
	[tilespmem:$0x1C000] =	vst v63  }
0xac: {  	s2 =	spop (v2sf)  }
0xad: {  	s0 =	sand.u32 $0x1FFFFFF0, s2  }
0xae: {  	s2 =	sadd.s32 $0x4980, s31;
	s0 =	sadd.s32 s5, s0  }
0xaf: {  	[tilespmem:s2], [sflag:$0x2] =	stream.linear.gather [hbm4b:s0+s3], $0x80, $0x38;
	[tilespmem:$0x1C000] =	vst v63  }
0xb0: {  	s2 =	spop (v2sf)  }
0xb1: {  	v3 =	vld [tilespmem:s2+$0xC600];
	_ =	sdelay $0x4  }
0xb2: {  	[tilespmem:s31+$0x8980] =	vst v3  }
0xb3: {  	(v2sf) =	vpush v0, $0x8;
	v3 =	vld [tilespmem:s2+$0xC610];
	_ =	sdelay $0x3  }
0xb4: {  	(v2sf) =	vpush v2, $0x8  }
0xb5: {  	[tilespmem:s31+$0x8990] =	vst v3  }
0xb6: {  	v3 =	vld [tilespmem:s2+$0xC620];
	_ =	sdelay $0x1  }
0xb7: {  	(v2sf) =	vpush v61, $0x8;
	_ =	sdelay $0x2  }
0xb8: {  	[tilespmem:s31+$0x89A0] =	vst v3  }
0xb9: {  	v3 =	vld [tilespmem:s2+$0xC630];
	_ =	sdelay $0x2  }
0xba: {  	s2 =	spop (v2sf)  }
0xbb: {  	s0 =	sand.u32 $0x1FFFFFF0, s2  }
0xbc: {  	s2 =	sadd.s32 $0xA00, s31;
	s0 =	sadd.s32 s5, s0;
	[tilespmem:s31+$0x89B0] =	vst v3  }
0xbd: {  	[tilespmem:s2], [sflag:$0x1] =	stream.linear.gather [hbm4b:s0+s3], $0x80, $0x38;
	[tilespmem:$0x1C000] =	vst v63  }
0xbe: {  	s2 =	spop (v2sf)  }
0xbf: {  	s0 =	sand.u32 $0x1FFFFFF0, s2  }
0xc0: {  	s2 =	sadd.s32 $0x4A00, s31;
	s0 =	sadd.s32 s5, s0  }
0xc1: {  	[tilespmem:s2], [sflag:$0x2] =	stream.linear.gather [hbm4b:s0+s3], $0x80, $0x38;
	[tilespmem:$0x1C000] =	vst v63  }
0xc2: {  	s2 =	spop (v2sf)  }
0xc3: {  	v3 =	vld [tilespmem:s2+$0xC600];
	_ =	sdelay $0x4  }
0xc4: {  	[tilespmem:s31+$0x8A00] =	vst v3  }
0xc5: {  	(v2sf) =	vpush v0, $0x9;
	v3 =	vld [tilespmem:s2+$0xC610];
	_ =	sdelay $0x3  }
0xc6: {  	(v2sf) =	vpush v2, $0x9  }
0xc7: {  	[tilespmem:s31+$0x8A10] =	vst v3  }
0xc8: {  	v3 =	vld [tilespmem:s2+$0xC620];
	_ =	sdelay $0x1  }
0xc9: {  	(v2sf) =	vpush v61, $0x9;
	_ =	sdelay $0x2  }
0xca: {  	[tilespmem:s31+$0x8A20] =	vst v3  }
0xcb: {  	v3 =	vld [tilespmem:s2+$0xC630];
	_ =	sdelay $0x2  }
0xcc: {  	s2 =	spop (v2sf)  }
0xcd: {  	s0 =	sand.u32 $0x1FFFFFF0, s2  }
0xce: {  	s2 =	sadd.s32 $0xA80, s31;
	s0 =	sadd.s32 s5, s0;
	[tilespmem:s31+$0x8A30] =	vst v3  }
0xcf: {  	[tilespmem:s2], [sflag:$0x1] =	stream.linear.gather [hbm4b:s0+s3], $0x80, $0x38;
	[tilespmem:$0x1C000] =	vst v63  }
0xd0: {  	s2 =	spop (v2sf)  }
0xd1: {  	s0 =	sand.u32 $0x1FFFFFF0, s2  }
0xd2: {  	s2 =	sadd.s32 $0x4A80, s31;
	s0 =	sadd.s32 s5, s0  }
0xd3: {  	[tilespmem:s2], [sflag:$0x2] =	stream.linear.gather [hbm4b:s0+s3], $0x80, $0x38;
	[tilespmem:$0x1C000] =	vst v63  }
0xd4: {  	s2 =	spop (v2sf)  }
0xd5: {  	v3 =	vld [tilespmem:s2+$0xC600];
	_ =	sdelay $0x4  }
0xd6: {  	[tilespmem:s31+$0x8A80] =	vst v3  }
0xd7: {  	(v2sf) =	vpush v0, $0xA;
	v3 =	vld [tilespmem:s2+$0xC610];
	_ =	sdelay $0x3  }
0xd8: {  	(v2sf) =	vpush v2, $0xA  }
0xd9: {  	[tilespmem:s31+$0x8A90] =	vst v3  }
0xda: {  	v3 =	vld [tilespmem:s2+$0xC620];
	_ =	sdelay $0x1  }
0xdb: {  	(v2sf) =	vpush v61, $0xA;
	_ =	sdelay $0x2  }
0xdc: {  	[tilespmem:s31+$0x8AA0] =	vst v3  }
0xdd: {  	v3 =	vld [tilespmem:s2+$0xC630];
	_ =	sdelay $0x2  }
0xde: {  	s2 =	spop (v2sf)  }
0xdf: {  	s0 =	sand.u32 $0x1FFFFFF0, s2  }
0xe0: {  	s2 =	sadd.s32 $0xB00, s31;
	s0 =	sadd.s32 s5, s0;
	[tilespmem:s31+$0x8AB0] =	vst v3  }
0xe1: {  	[tilespmem:s2], [sflag:$0x1] =	stream.linear.gather [hbm4b:s0+s3], $0x80, $0x38;
	[tilespmem:$0x1C000] =	vst v63  }
0xe2: {  	s2 =	spop (v2sf)  }
0xe3: {  	s0 =	sand.u32 $0x1FFFFFF0, s2  }
0xe4: {  	s2 =	sadd.s32 $0x4B00, s31;
	s0 =	sadd.s32 s5, s0  }
0xe5: {  	[tilespmem:s2], [sflag:$0x2] =	stream.linear.gather [hbm4b:s0+s3], $0x80, $0x38;
	[tilespmem:$0x1C000] =	vst v63  }
0xe6: {  	s2 =	spop (v2sf)  }
0xe7: {  	v3 =	vld [tilespmem:s2+$0xC600];
	_ =	sdelay $0x4  }
0xe8: {  	[tilespmem:s31+$0x8B00] =	vst v3  }
0xe9: {  	(v2sf) =	vpush v0, $0xB;
	v3 =	vld [tilespmem:s2+$0xC610];
	_ =	sdelay $0x3  }
0xea: {  	(v2sf) =	vpush v2, $0xB  }
0xeb: {  	[tilespmem:s31+$0x8B10] =	vst v3  }
0xec: {  	v3 =	vld [tilespmem:s2+$0xC620];
	_ =	sdelay $0x1  }
0xed: {  	(v2sf) =	vpush v61, $0xB;
	_ =	sdelay $0x2  }
0xee: {  	[tilespmem:s31+$0x8B20] =	vst v3  }
0xef: {  	v3 =	vld [tilespmem:s2+$0xC630];
	_ =	sdelay $0x2  }
0xf0: {  	s2 =	spop (v2sf)  }
0xf1: {  	s0 =	sand.u32 $0x1FFFFFF0, s2  }
0xf2: {  	s2 =	sadd.s32 $0xB80, s31;
	s0 =	sadd.s32 s5, s0;
	[tilespmem:s31+$0x8B30] =	vst v3  }
0xf3: {  	[tilespmem:s2], [sflag:$0x1] =	stream.linear.gather [hbm4b:s0+s3], $0x80, $0x38;
	[tilespmem:$0x1C000] =	vst v63  }
0xf4: {  	s2 =	spop (v2sf)  }
0xf5: {  	s0 =	sand.u32 $0x1FFFFFF0, s2  }
0xf6: {  	s2 =	sadd.s32 $0x4B80, s31;
	s0 =	sadd.s32 s5, s0  }
0xf7: {  	[tilespmem:s2], [sflag:$0x2] =	stream.linear.gather [hbm4b:s0+s3], $0x80, $0x38;
	[tilespmem:$0x1C000] =	vst v63  }
0xf8: {  	s2 =	spop (v2sf)  }
0xf9: {  	v3 =	vld [tilespmem:s2+$0xC600];
	_ =	sdelay $0x4  }
0xfa: {  	[tilespmem:s31+$0x8B80] =	vst v3  }
0xfb: {  	(v2sf) =	vpush v0, $0xC;
	v3 =	vld [tilespmem:s2+$0xC610];
	_ =	sdelay $0x3  }
0xfc: {  	(v2sf) =	vpush v2, $0xC  }
0xfd: {  	[tilespmem:s31+$0x8B90] =	vst v3  }
0xfe: {  	v3 =	vld [tilespmem:s2+$0xC620];
	_ =	sdelay $0x1  }
0xff: {  	(v2sf) =	vpush v61, $0xC;
	_ =	sdelay $0x2  }
0x100: {  	[tilespmem:s31+$0x8BA0] =	vst v3  }
0x101: {  	v3 =	vld [tilespmem:s2+$0xC630];
	_ =	sdelay $0x2  }
0x102: {  	s2 =	spop (v2sf)  }
0x103: {  	s0 =	sand.u32 $0x1FFFFFF0, s2  }
0x104: {  	s2 =	sadd.s32 $0xC00, s31;
	s0 =	sadd.s32 s5, s0;
	[tilespmem:s31+$0x8BB0] =	vst v3  }
0x105: {  	[tilespmem:s2], [sflag:$0x1] =	stream.linear.gather [hbm4b:s0+s3], $0x80, $0x38;
	[tilespmem:$0x1C000] =	vst v63  }
0x106: {  	s2 =	spop (v2sf)  }
0x107: {  	s0 =	sand.u32 $0x1FFFFFF0, s2  }
0x108: {  	s2 =	sadd.s32 $0x4C00, s31;
	s0 =	sadd.s32 s5, s0  }
0x109: {  	[tilespmem:s2], [sflag:$0x2] =	stream.linear.gather [hbm4b:s0+s3], $0x80, $0x38;
	[tilespmem:$0x1C000] =	vst v63  }
0x10a: {  	s2 =	spop (v2sf)  }
0x10b: {  	v3 =	vld [tilespmem:s2+$0xC600];
	_ =	sdelay $0x4  }
0x10c: {  	[tilespmem:s31+$0x8C00] =	vst v3  }
0x10d: {  	(v2sf) =	vpush v0, $0xD;
	v3 =	vld [tilespmem:s2+$0xC610];
	_ =	sdelay $0x3  }
0x10e: {  	(v2sf) =	vpush v2, $0xD  }
0x10f: {  	[tilespmem:s31+$0x8C10] =	vst v3  }
0x110: {  	v3 =	vld [tilespmem:s2+$0xC620];
	_ =	sdelay $0x1  }
0x111: {  	(v2sf) =	vpush v61, $0xD;
	_ =	sdelay $0x2  }
0x112: {  	[tilespmem:s31+$0x8C20] =	vst v3  }
0x113: {  	v3 =	vld [tilespmem:s2+$0xC630];
	_ =	sdelay $0x2  }
0x114: {  	s2 =	spop (v2sf)  }
0x115: {  	s0 =	sand.u32 $0x1FFFFFF0, s2  }
0x116: {  	s2 =	sadd.s32 $0xC80, s31;
	s0 =	sadd.s32 s5, s0;
	[tilespmem:s31+$0x8C30] =	vst v3  }
0x117: {  	[tilespmem:s2], [sflag:$0x1] =	stream.linear.gather [hbm4b:s0+s3], $0x80, $0x38;
	[tilespmem:$0x1C000] =	vst v63  }
0x118: {  	s2 =	spop (v2sf)  }
0x119: {  	s0 =	sand.u32 $0x1FFFFFF0, s2  }
0x11a: {  	s2 =	sadd.s32 $0x4C80, s31;
	s0 =	sadd.s32 s5, s0  }
0x11b: {  	[tilespmem:s2], [sflag:$0x2] =	stream.linear.gather [hbm4b:s0+s3], $0x80, $0x38;
	[tilespmem:$0x1C000] =	vst v63  }
0x11c: {  	s2 =	spop (v2sf)  }
0x11d: {  	v3 =	vld [tilespmem:s2+$0xC600];
	_ =	sdelay $0x4  }
0x11e: {  	[tilespmem:s31+$0x8C80] =	vst v3  }
0x11f: {  	(v2sf) =	vpush v0, $0xE;
	v3 =	vld [tilespmem:s2+$0xC610];
	_ =	sdelay $0x3  }
0x120: {  	(v2sf) =	vpush v2, $0xE  }
0x121: {  	[tilespmem:s31+$0x8C90] =	vst v3  }
0x122: {  	v3 =	vld [tilespmem:s2+$0xC620];
	_ =	sdelay $0x1  }
0x123: {  	(v2sf) =	vpush v61, $0xE;
	_ =	sdelay $0x2  }
0x124: {  	[tilespmem:s31+$0x8CA0] =	vst v3  }
0x125: {  	v3 =	vld [tilespmem:s2+$0xC630];
	_ =	sdelay $0x2  }
0x126: {  	s2 =	spop (v2sf)  }
0x127: {  	s0 =	sand.u32 $0x1FFFFFF0, s2  }
0x128: {  	s2 =	sadd.s32 $0xD00, s31;
	s0 =	sadd.s32 s5, s0;
	[tilespmem:s31+$0x8CB0] =	vst v3  }
0x129: {  	[tilespmem:s2], [sflag:$0x1] =	stream.linear.gather [hbm4b:s0+s3], $0x80, $0x38;
	[tilespmem:$0x1C000] =	vst v63  }
0x12a: {  	s2 =	spop (v2sf)  }
0x12b: {  	s0 =	sand.u32 $0x1FFFFFF0, s2  }
0x12c: {  	s2 =	sadd.s32 $0x4D00, s31;
	s0 =	sadd.s32 s5, s0  }
0x12d: {  	[tilespmem:s2], [sflag:$0x2] =	stream.linear.gather [hbm4b:s0+s3], $0x80, $0x38;
	[tilespmem:$0x1C000] =	vst v63  }
0x12e: {  	s2 =	spop (v2sf)  }
0x12f: {  	v3 =	vld [tilespmem:s2+$0xC600];
	_ =	sdelay $0x4  }
0x130: {  	[tilespmem:s31+$0x8D00] =	vst v3  }
0x131: {  	(v2sf) =	vpush v0, $0xF;
	v3 =	vld [tilespmem:s2+$0xC610];
	_ =	sdelay $0x3  }
0x132: {  	(v2sf) =	vpush v2, $0xF  }
0x133: {  	[tilespmem:s31+$0x8D10] =	vst v3  }
0x134: {  	v63 =	vld [tilespmem:s2+$0xC620];
	_ =	sdelay $0x1  }
0x135: {  	(v2sf) =	vpush v61, $0xF;
	_ =	sdelay $0x2  }
0x136: {  	[tilespmem:s31+$0x8D20] =	vst v63  }
0x137: {  	v0 =	vld [tilespmem:s2+$0xC630];
	_ =	sdelay $0x2  }
0x138: {  	s2 =	spop (v2sf)  }
0x139: {  	s0 =	sand.u32 $0x1FFFFFF0, s2  }
0x13a: {  	s2 =	sadd.s32 $0xD80, s31;
	s0 =	sadd.s32 s5, s0;
	[tilespmem:s31+$0x8D30] =	vst v0  }
0x13b: {  	[tilespmem:s2], [sflag:$0x1] =	stream.linear.gather [hbm4b:s0+s3], $0x80, $0x38;
	[tilespmem:$0x1C000] =	vst v63  }
0x13c: {  	s2 =	spop (v2sf)  }
0x13d: {  	s0 =	sand.u32 $0x1FFFFFF0, s2  }
0x13e: {  	s2 =	sadd.s32 $0x4D80, s31;
	s0 =	sadd.s32 s5, s0  }
0x13f: {  	[tilespmem:s2], [sflag:$0x2] =	stream.linear.gather [hbm4b:s0+s3], $0x80, $0x38;
	[tilespmem:$0x1C000] =	vst v63  }
0x140: {  	s2 =	spop (v2sf)  }
0x141: {  	v0 =	vld [tilespmem:s2+$0xC600];
	_ =	sdelay $0x4  }
0x142: {  	[tilespmem:s31+$0x8D80] =	vst v0  }
0x143: {  	v0 =	vld [tilespmem:s2+$0xC610];
	_ =	sdelay $0x4  }
0x144: {  	[tilespmem:s31+$0x8D90] =	vst v0  }
0x145: {  	v0 =	vld [tilespmem:s2+$0xC620];
	_ =	sdelay $0x4  }
0x146: {  	[tilespmem:s31+$0x8DA0] =	vst v0  }
0x147: {  	p0 =	sne.s32 s26, $0xE000;
	v0 =	vld [tilespmem:s2+$0xC630]  }
.Ltmp0:
0x148: {  	_ = 	snop;
	(pc) =	sbr.rel @p0 .LBB2_3-.Ltmp0, $3  }
0x149: {  	_ =	sdelay $0x1  }
0x14a: {  	s30 =	sadd.s32 $0x10, s30  }
0x14b: {  	s29 =	sadd.s32 $0x10, s29;
	s28 =	sadd.s32 $0x10, s28;
	s26 =	sadd.s32 $0x2000, s26;
	[tilespmem:s31+$0x8DB0] =	vst v0  }
0x14c: {  	_ =	swait.ge [sflag:s15], $0x4000  }
0x14d: {  	[sflag:s15] =	ssyncset.done $0x0  }
0x14e: {  	[sflag:s15] =	ssyncadd.s32 $0xFFFFC000  }
0x14f: {  	s0 =	sor.u32 s4, s25;
	_ =	swait.ge [sflag:s16], $0x4000  }
0x150: {  	s0 =	sshll.u32 s0, $0x4;
	[sflag:s16] =	ssyncset.done $0x0  }
0x151: {  	s2 =	sadd.s32 s6, s0;
	[sflag:s16] =	ssyncadd.s32 $0xFFFFC000  }
0x152: {  	[hbm4b:s2+s3] =	stream.linear.scatter [tilespmem:s17], [sflag:$0x3], $0x4000, $0x38;
	[tilespmem:$0x1C000] =	vst v63  }
0x153: {  	_ =	swait.ge [sflag:s13], $0x4000  }
0x154: {  	[sflag:s13] =	ssyncset.done $0x0  }
0x155: {  	s31 =	sadd.s32 s8, s0;
	[sflag:s13] =	ssyncadd.s32 $0xFFFFC000  }
0x156: {  	[hbm4b:s31+s3] =	stream.linear.scatter [tilespmem:s18], [sflag:$0x3], $0x4000, $0x38;
	[tilespmem:$0x1C000] =	vst v63  }
0x157: {  	s24 =	sadd.s32 $0x1, s24;
	_ =	swait.ge [sflag:s13], $0x4000  }
0x158: {  	p0 =	sne.s32 s24, $0x4;
	[sflag:s13] =	ssyncset.done $0x0  }
.Ltmp1:
0x159: {  	s0 =	sadd.s32 s7, s0;
	[sflag:s13] =	ssyncadd.s32 $0xFFFFC000;
	(pc) =	sbr.rel @p0 .LBB2_2-.Ltmp1, $4  }
0x15a: {  	[hbm4b:s0+s3] =	stream.linear.scatter [tilespmem:s19], [sflag:$0x3], $0x4000, $0x38;
	[tilespmem:$0x1C000] =	vst v63  }
0x15b: {  	_ =	swait.ge [sflag:s13], $0x4000  }
0x15c: {  	s23 =	sadd.s32 $0x80, s23;
	[sflag:s13] =	ssyncset.done $0x0  }
0x15d: {  	s21 =	sadd.s32 $0x80, s21;
	s22 =	sadd.s32 $0x80, s22;
	[sflag:s13] =	ssyncadd.s32 $0xFFFFC000  }
0x15e: {  	s20 =	sadd.s32 $0x1, s20  }
0x15f: {  	p0 =	sne.s32 s20, s12  }
.Ltmp2:
0x160: {  	_ = 	snop;
	(pc) =	sbr.rel @p0 .LBB2_1-.Ltmp2, $1  }
0x161: {  	_ =	sdelay $0x3  }
0x162: {  	_ =	sfence.sel $0x180000  }
0x163: {  	[bflag:$0x0] =	sbarrier.arrive $0xFFFF  }
0x164: {  	_ =	strace $0x90000047  }
0x165: {  	s0 =	stileid.u32;
	[bflag:$0x2] =	sbarrier.arrive $0xFFFF  }
0x166: {  	p0 =	sne.s32 s0, $0x0;
	s0 =	rddreg [dreg:$0x4]  }
0x167: {  	s0 =	sadd.s32 @!p0 $0x100000, s0  }
0x168: {  	[sflag:s0] =	ssyncadd.tile.s32 @!p0 $0x1;
	_ =	shalt  }
.Lfunc_end2:
_tile_overlayer_lowered:
.L_overlay_start_2:
0x169: {  	(tag) =	ssettag $0x2  }
0x16a: {  	s0 =	rddreg [dreg:$0x0];
	s2 =	stileid.u32  }
0x16b: {  	s1 =	rddreg [dreg:$0x1];
	p0 =	sne.s32 s2, $0x0  }
0x16c: {  	s3 =	rddreg [dreg:$0x2];
	[bflag:$0x3] =	sbarrier.arrive $0xFFFF;
	s2 =	simm.s32 @!p0 $0x1C03  }
0x16d: {  	[timem:s3], [sflag:s2] =	dma.local @!p0 [hbm:s0], s1  }
0x16e: {  	s0 =	simm.s32 @!p0 $0x3  }
0x16f: {  	_ =	swait.ge @!p0 [sflag:s0], s1  }
0x170: {  	s1 =	ssub.s32 @!p0 $0x0, s1;
	[sflag:s0] =	ssyncset.done @!p0 $0x0  }
0x171: {  	[sflag:s0] =	ssyncadd.s32 @!p0 s1  }
0x172: {  	[bflag:$0x3] =	sbarrier.arrive $0xFFFF  }
0x173: {  	_ =	shalt  }

</sc_bundles>
